<compile_context>
chip_gen: v7x
topology: tpu7x:2x2x1
jax: 0.10.2.dev20260603
libtpu: 0.0.44.dev20260713+nightly
codegen_flags: <defaults>
</compile_context>

<pallas_src>
import functools

import jax
import jax.numpy as jnp
from jax import lax
from jax.experimental import pallas as pl
from jax.experimental.pallas import tpu as pltpu
from jax.experimental.pallas import tpu_sc as plsc

_N = 10000
_E = 320000
_H = 128

_EBLK = 1280
_CH = 128
_NCHUNK = _E // _CH
_NCPAD = 2504
_NTILES = 32
_NPAD = 10240
_ZR = 128

_HC0 = 1280
_HC1 = _NCHUNK - _HC0
_GPT = 40
_SPT = 80
_PREM = 24

_mesh = plsc.VectorSubcoreMesh(core_axis_name="c", subcore_axis_name="s")


def _bf16_bits(x):
    b = jax.lax.bitcast_convert_type(x.astype(jnp.bfloat16), jnp.uint16)
    return b.astype(jnp.int32)


def _pack2(lo, hi):
    return (_bf16_bits(hi) << 16) | _bf16_bits(lo)


def _zero_vmem(buf):
    z = jnp.zeros((16,), jnp.float32)

    @pl.loop(0, buf.shape[0])
    def _(r):
        @pl.loop(0, buf.shape[1], step=16)
        def _(c):
            buf[r, pl.ds(c, 16)] = z


def _preload_idx(src2d_hbm, idx, r0, count, full):
    @pl.when(count >= full)
    def _():
        pltpu.sync_copy(src2d_hbm.at[pl.ds(r0, full)], idx)

    @pl.when(jnp.logical_and(count > 0, count < full))
    def _():
        pltpu.sync_copy(src2d_hbm.at[pl.ds(r0, _PREM)],
                        idx.at[pl.ds(0, _PREM)])


def _make_gather(nch):
    def body(tsrc_hbm, tdst_hbm, src2d_hbm, dst2d_hbm, g_hbm, gd_hbm,
             idx_s, idx_d, bs0, bs1, bd0, bd1,
             sgs0, sgs1, sgd0, sgd1, sw0, sw1, swd0, swd1):
        cid = lax.axis_index("c")
        sid = lax.axis_index("s")
        wid = sid * 2 + cid
        r0 = wid * _GPT
        count = jnp.maximum(0, jnp.minimum(_GPT, nch - r0))

        _preload_idx(src2d_hbm, idx_s, r0, count, _GPT)
        _preload_idx(dst2d_hbm, idx_d, r0, count, _GPT)

        def issue_g(i, bs, bd, sg_s, sg_d):
            pltpu.async_copy(tsrc_hbm.at[idx_s.at[i]], bs, sg_s)
            pltpu.async_copy(tdst_hbm.at[idx_d.at[i]], bd, sg_d)

        def wait_g(bs, bd, sg_s, sg_d):
            pltpu.make_async_copy(tsrc_hbm.at[idx_s.at[0]], bs, sg_s).wait()
            pltpu.make_async_copy(tdst_hbm.at[idx_d.at[0]], bd, sg_d).wait()

        def issue_w(i, bs, bd, sw, swd):
            base = (r0 + i) * _CH
            pltpu.async_copy(bs, g_hbm.at[pl.ds(base, _CH)], sw)
            pltpu.async_copy(bd, gd_hbm.at[pl.ds(base, _CH)], swd)

        def wait_w(bs, bd, sw, swd):
            pltpu.make_async_copy(bs, g_hbm.at[pl.ds(0, _CH)], sw).wait()
            pltpu.make_async_copy(bd, gd_hbm.at[pl.ds(0, _CH)], swd).wait()

        @pl.when(count > 0)
        def _():
            issue_g(0, bs0, bd0, sgs0, sgd0)

        def step(j, carry):
            a = 2 * j

            wait_g(bs0, bd0, sgs0, sgd0)

            @pl.when(a + 1 < count)
            def _():
                @pl.when(j > 0)
                def _():
                    wait_w(bs1, bd1, sw1, swd1)
                issue_g(a + 1, bs1, bd1, sgs1, sgd1)

            issue_w(a, bs0, bd0, sw0, swd0)

            @pl.when(a + 1 < count)
            def _():
                wait_g(bs1, bd1, sgs1, sgd1)

                @pl.when(a + 2 < count)
                def _():
                    wait_w(bs0, bd0, sw0, swd0)
                    issue_g(a + 2, bs0, bd0, sgs0, sgd0)

                issue_w(a + 1, bs1, bd1, sw1, swd1)

            return carry

        lax.fori_loop(0, (count + 1) // 2, step, 0)

        @pl.when(count > 0)
        def _():
            wait_w(bs0, bd0, sw0, swd0)

        @pl.when(count > 1)
        def _():
            wait_w(bs1, bd1, sw1, swd1)

    ne = nch * _CH

    @jax.jit
    def call(table_src, table_dst, src2d, dst2d):
        return pl.kernel(
            body,
            out_type=[jax.ShapeDtypeStruct((ne, _H), jnp.int32),
                      jax.ShapeDtypeStruct((ne, _H), jnp.float32)],
            mesh=_mesh,
            scratch_types=[
                pltpu.VMEM((_GPT, _CH), jnp.int32),
                pltpu.VMEM((_GPT, _CH), jnp.int32),
                pltpu.VMEM((_CH, _H), jnp.int32),
                pltpu.VMEM((_CH, _H), jnp.int32),
                pltpu.VMEM((_CH, _H), jnp.float32),
                pltpu.VMEM((_CH, _H), jnp.float32),
            ] + [pltpu.SemaphoreType.DMA] * 8,
        )(table_src, table_dst, src2d, dst2d)

    return call


def _make_scatter(nch):
    def sloop(d_hbm, dst2d_hbm, acc, idx, c0, c1, sl0, sl1, sid):
        r0 = sid * _SPT
        count = jnp.maximum(0, jnp.minimum(_SPT, nch - r0))

        _preload_idx(dst2d_hbm, idx, r0, count, _SPT)

        def issue_l(i, cb, sl):
            base = (r0 + i) * _CH
            pltpu.async_copy(d_hbm.at[pl.ds(base, _CH)], cb, sl)

        def wait_l(cb, sl):
            pltpu.make_async_copy(d_hbm.at[pl.ds(0, _CH)], cb, sl).wait()

        @pl.when(count > 0)
        def _():
            issue_l(0, c0, sl0)

        def step(j, carry):
            a = 2 * j

            wait_l(c0, sl0)

            @pl.when(a + 1 < count)
            def _():
                issue_l(a + 1, c1, sl1)

            pltpu.sync_copy(c0, acc.at[idx.at[a]], add=True)

            @pl.when(a + 1 < count)
            def _():
                wait_l(c1, sl1)

                @pl.when(a + 2 < count)
                def _():
                    issue_l(a + 2, c0, sl0)

                pltpu.sync_copy(c1, acc.at[idx.at[a + 1]], add=True)

            return carry

        lax.fori_loop(0, (count + 1) // 2, step, 0)

    def body(msg_hbm, sig_hbm, dst2d_hbm, num_hbm, den_hbm,
             acc, idx, c0, c1, sl0, sl1):
        cid = lax.axis_index("c")
        sid = lax.axis_index("s")

        _zero_vmem(c0)
        row0 = sid * (_NPAD // 16)

        @pl.loop(0, _NPAD // 16, step=_ZR)
        def _(k):
            pltpu.sync_copy(c0, acc.at[pl.ds(row0 + k, _ZR)])

        plsc.subcore_barrier()

        @pl.when(cid == 0)
        def _():
            sloop(msg_hbm, dst2d_hbm, acc, idx, c0, c1, sl0, sl1, sid)

        @pl.when(cid == 1)
        def _():
            sloop(sig_hbm, dst2d_hbm, acc, idx, c0, c1, sl0, sl1, sid)

        plsc.subcore_barrier()

        @pl.when(cid == 0)
        def _():
            @pl.loop(0, _NPAD // 16, step=_ZR)
            def _(k):
                pltpu.sync_copy(acc.at[pl.ds(row0 + k, _ZR)],
                                num_hbm.at[pl.ds(row0 + k, _ZR)])

        @pl.when(cid == 1)
        def _():
            @pl.loop(0, _NPAD // 16, step=_ZR)
            def _(k):
                pltpu.sync_copy(acc.at[pl.ds(row0 + k, _ZR)],
                                den_hbm.at[pl.ds(row0 + k, _ZR)])

    @jax.jit
    def call(msg, sig, dst2d):
        return pl.kernel(
            body,
            out_type=[jax.ShapeDtypeStruct((_NPAD, _H), jnp.float32),
                      jax.ShapeDtypeStruct((_NPAD, _H), jnp.float32)],
            mesh=_mesh,
            scratch_types=[
                pltpu.VMEM_SHARED((_NPAD, _H), jnp.float32),
                pltpu.VMEM((_SPT, _CH), jnp.int32),
                pltpu.VMEM((_CH, _H), jnp.float32),
                pltpu.VMEM((_CH, _H), jnp.float32),
                pltpu.SemaphoreType.DMA,
                pltpu.SemaphoreType.DMA,
            ],
        )(msg, sig, dst2d)

    return call


def _edgewise_body(g_ref, gd_ref, c_ref, ein_ref, sn_ref,
                   enew_ref, sig_ref, msg_ref):
    gw = g_ref[...]
    eh_src = jax.lax.bitcast_convert_type(gw << 16, jnp.float32)
    bh_src = jax.lax.bitcast_convert_type(
        gw & jnp.int32(-65536), jnp.float32)
    dh_dst = gd_ref[...]
    ce = jnp.dot(ein_ref[...].astype(jnp.bfloat16),
                 c_ref[...].astype(jnp.bfloat16),
                 preferred_element_type=jnp.float32)
    e_hat = dh_dst + eh_src + ce
    sig = 0.5 * jnp.tanh(0.5 * e_hat) + 0.5
    sig_ref[...] = sig
    msg_ref[...] = sig * bh_src
    enew_ref[...] = ein_ref[...] + jax.nn.relu(e_hat * sn_ref[...])


def _edgewise(g, gd, C, e_in, snorm_e):
    ne = g.shape[0]
    n_blk = ne // _EBLK
    spec = pl.BlockSpec((_EBLK, _H), lambda i: (i, 0))
    spec1 = pl.BlockSpec((_EBLK, 1), lambda i: (i, 0))
    specw = pl.BlockSpec((_H, _H), lambda i: (0, 0))
    out_shapes = [jax.ShapeDtypeStruct((ne, _H), jnp.float32)] * 3
    return pl.pallas_call(
        _edgewise_body,
        grid=(n_blk,),
        in_specs=[spec, spec, specw, spec, spec1],
        out_specs=[spec, spec, spec],
        out_shape=out_shapes,
    )(g, gd, C, e_in, snorm_e)


_gather_h = (_make_gather(_HC0), _make_gather(_HC1))
_scatter_h = (_make_scatter(_HC0), _make_scatter(_HC1))
_NE0 = _HC0 * _CH
_NE1 = _HC1 * _CH


def kernel(h, e, snorm_n, snorm_e, W_emb_h, W_emb_e, W_layers, W_ro, W_pred,
           b_pred, edge_index):
    pad = _NCPAD * _CH - _E
    src2d = jnp.pad(edge_index[0], (0, pad)).reshape(_NCPAD, _CH)
    dst2d = jnp.pad(edge_index[1], (0, pad)).reshape(_NCPAD, _CH)
    src2d_h = (src2d[:_HC0], src2d[_HC0:])
    dst2d_h = (dst2d[:_HC0], dst2d[_HC0:])
    sn_h = (snorm_e[:_NE0], snorm_e[_NE0:])
    h = h @ W_emb_h
    e_h = [e[:_NE0] @ W_emb_e, e[_NE0:] @ W_emb_e]
    for l in range(4):
        h_in = h
        A, B, C, Dw, Ew = (W_layers[l, i] for i in range(5))
        Ah = h @ A
        Bh = h @ B
        Dh = h @ Dw
        Eh = h @ Ew
        table_src = _pack2(Eh, Bh)
        g0, gd0 = _gather_h[0](table_src, Dh, src2d_h[0], dst2d_h[0])
        g1, gd1 = _gather_h[1](table_src, Dh, src2d_h[1], dst2d_h[1])
        e_new0, sig0, msg0 = _edgewise(g0, gd0, C, e_h[0], sn_h[0])
        pn0, pd0 = _scatter_h[0](msg0, sig0, dst2d_h[0])
        e_new1, sig1, msg1 = _edgewise(g1, gd1, C, e_h[1], sn_h[1])
        pn1, pd1 = _scatter_h[1](msg1, sig1, dst2d_h[1])
        e_new_h = [e_new0, e_new1]
        num = pn0 + pn1
        den = pd0 + pd1
        num = num[:_N]
        den = den[:_N]
        h_new = jax.nn.relu((Ah + num / (den + 1e-6)) * snorm_n)
        e_h = e_new_h
        h = h_in + h_new
    hro = h @ W_ro
    hg = jnp.sum(hro, axis=0, keepdims=True)
    return hg @ W_pred + b_pred

# --- scband reference (transcript-rebuilt; emitter-appended) ---
"""Pipeline reference for scband-gated-gcnnet-40931038331541 (READ-ONLY COPY).

The authoritative reference and input builder live on the scoring server;
editing this copy changes nothing except your own understanding.
"""

import jax, jax.numpy as jnp
import numpy as np

N = 10000
E = 320000
D_IN = 128
D_EDGE = 16
H = 128
L = 4


def _init_w(key, shape):
    return (jax.random.normal(key, shape, dtype=jnp.float32) / np.sqrt(shape[-2])).astype(jnp.float32)


def setup_inputs(seed: int = 0):
    key = jax.random.key(seed)
    ks = jax.random.split(key, 12)
    h = jax.random.normal(ks[0], (N, D_IN), dtype=jnp.float32)
    e = jax.random.normal(ks[1], (E, D_EDGE), dtype=jnp.float32)
    edge_index = jax.random.randint(ks[2], (2, E), 0, N, dtype=jnp.int32)
    snorm_n = jax.random.uniform(ks[3], (N, 1), dtype=jnp.float32)
    snorm_e = jax.random.uniform(ks[4], (E, 1), dtype=jnp.float32)
    W_emb_h = _init_w(ks[5], (D_IN, H))
    W_emb_e = _init_w(ks[6], (D_EDGE, H))
    W_layers = _init_w(ks[7], (L, 5, H, H))
    W_ro = _init_w(ks[8], (H, H))
    W_pred = _init_w(ks[9], (H, 1))
    b_pred = jnp.zeros((1,), dtype=jnp.float32)
    return {"h": h, "e": e, "snorm_n": snorm_n, "snorm_e": snorm_e,
            "W_emb_h": W_emb_h, "W_emb_e": W_emb_e, "W_layers": W_layers,
            "W_ro": W_ro, "W_pred": W_pred, "b_pred": b_pred,
            "edge_index": edge_index}


def _forward(h, e, snorm_n, snorm_e, W_emb_h, W_emb_e, W_layers, W_ro, W_pred, b_pred, edge_index):
    src = edge_index[0]
    dst = edge_index[1]
    # input embeddings (BayesianLinear evaluated at posterior mean; dropout p=0)
    h = h @ W_emb_h
    e = e @ W_emb_e
    for l in range(L):
        h_in = h
        e_in = e
        A = W_layers[l, 0]
        B = W_layers[l, 1]
        C = W_layers[l, 2]
        Dw = W_layers[l, 3]
        Ew = W_layers[l, 4]
        Ah = h @ A
        Bh = h @ B
        Dh = h @ Dw
        Eh = h @ Ew
        Ce = e @ C
        # edge update: e_ij = D h_i + E h_j + C e_ij  (i = dst, j = src)
        e_hat = Dh[dst] + Eh[src] + Ce
        sigma = jax.nn.sigmoid(e_hat)
        # gated aggregation (sum): h_i = A h_i + sum_j sigma_ij * B h_j / (sum_j sigma_ij + eps)
        msg = sigma * Bh[src]
        num = jax.ops.segment_sum(msg, dst, num_segments=N)
        den = jax.ops.segment_sum(sigma, dst, num_segments=N)
        h_new = Ah + num / (den + 1e-6)
        # graph norm
        h_new = h_new * snorm_n
        e_hat = e_hat * snorm_e
        h_new = jax.nn.relu(h_new)
        e_hat = jax.nn.relu(e_hat)
        # residual (residual=True): simple additive
        e = e_in + e_hat
        h = h_in + h_new
    # readout: sum over nodes of single batched graph
    hro = h @ W_ro
    hg = jnp.sum(hro, axis=0, keepdims=True)
    return hg @ W_pred + b_pred


def reference(h, e, snorm_n, snorm_e, W_emb_h, W_emb_e, W_layers, W_ro, W_pred, b_pred, edge_index):
    return _forward(h, e, snorm_n, snorm_e, W_emb_h, W_emb_e, W_layers, W_ro, W_pred, b_pred, edge_index)

if __name__ == "__main__":
    import jax
    _d = setup_inputs()
    print(jax.jit(kernel)(*tuple(_d.values())))

</pallas_src>

<mosaic_0001>
#map = affine_map<(d0, d1) -> (0, 0)>
module attributes {stable_mosaic.version = 14 : i64} {
  func.func @body(%arg0: i32, %arg1: i32, %arg2: memref<10000x128xi32, #tpu.memory_space<hbm>>, %arg3: memref<10000x128xf32, #tpu.memory_space<hbm>>, %arg4: memref<1280x128xi32, #tpu.memory_space<hbm>>, %arg5: memref<1280x128xi32, #tpu.memory_space<hbm>>, %arg6: memref<163840x128xi32, #tpu.memory_space<hbm>>, %arg7: memref<163840x128xf32, #tpu.memory_space<hbm>>, %arg8: memref<40x128xi32, #tpu.memory_space<vmem>>, %arg9: memref<40x128xi32, #tpu.memory_space<vmem>>, %arg10: memref<128x128xi32, #tpu.memory_space<vmem>>, %arg11: memref<128x128xi32, #tpu.memory_space<vmem>>, %arg12: memref<128x128xf32, #tpu.memory_space<vmem>>, %arg13: memref<128x128xf32, #tpu.memory_space<vmem>>, %arg14: memref<!tpu.dma_semaphore, #tpu.memory_space<semaphore_mem>>, %arg15: memref<!tpu.dma_semaphore, #tpu.memory_space<semaphore_mem>>, %arg16: memref<!tpu.dma_semaphore, #tpu.memory_space<semaphore_mem>>, %arg17: memref<!tpu.dma_semaphore, #tpu.memory_space<semaphore_mem>>, %arg18: memref<!tpu.dma_semaphore, #tpu.memory_space<semaphore_mem>>, %arg19: memref<!tpu.dma_semaphore, #tpu.memory_space<semaphore_mem>>, %arg20: memref<!tpu.dma_semaphore, #tpu.memory_space<semaphore_mem>>, %arg21: memref<!tpu.dma_semaphore, #tpu.memory_space<semaphore_mem>>) attributes {dimension_semantics = [#tpu.dimension_semantics<core_parallel>, #tpu.dimension_semantics<subcore_parallel>], iteration_bounds = array<i64: 2, 16>, scalar_prefetch = 0 : i64, scratch_operands = 14 : i64, tpu.core_type = #tpu.core_type<sc_vector_subcore>, window_params = [{transform_indices = #map}, {transform_indices = #map}, {transform_indices = #map}, {transform_indices = #map}, {transform_indices = #map}, {transform_indices = #map}]} {
    %mul3A = arith.constant 2 : i32
    %mul3A_0 = arith.muli %arg1, %mul3A : i32
    %add3A = arith.addi %mul3A_0, %arg0 : i32
    %mul3A_1 = arith.constant 40 : i32
    %mul3A_2 = arith.muli %add3A, %mul3A_1 : i32
    %sub3A = arith.constant 1280 : i32
    %sub3A_3 = arith.subi %sub3A, %mul3A_2 : i32
    %min3A = arith.constant 40 : i32
    %min3A_4 = arith.minsi %min3A, %sub3A_3 : i32
    %max3A = arith.constant 0 : i32
    %max3A_5 = arith.maxsi %max3A, %min3A_4 : i32
    %ge3A = arith.constant 40 : i32
    %ge3A_6 = arith.cmpi sge, %max3A_5, %ge3A : i32
    %convert_element_type3A = arith.extui %ge3A_6 : i1 to i32
    %cond3A = arith.constant 0 : i32
    %cond3A_7 = arith.cmpi ne, %convert_element_type3A, %cond3A : i32
    scf.if %cond3A_7 {
      "tpu.region"() ({
        %run_scoped3A = tpu.sem_alloc : memref<!tpu.dma_semaphore, #tpu.memory_space<semaphore_mem>>
        %dma_start3A = arith.constant 0 : i32
        %dma_start3A_70 = tpu.memref_slice %arg4[%mul3A_2, %dma_start3A] : memref<1280x128xi32, #tpu.memory_space<hbm>> -> memref<40x128xi32, #tpu.memory_space<hbm>>
        %dma_start3A_71 = arith.constant 0 : i32
        %dma_start3A_72 = tpu.memref_slice %arg4[%mul3A_2, %dma_start3A_71] : memref<1280x128xi32, #tpu.memory_space<hbm>> -> memref<40x128xi32, #tpu.memory_space<hbm>>
        tpu.enqueue_dma source(%dma_start3A_72 : memref<40x128xi32, #tpu.memory_space<hbm>>) target(%arg8 : memref<40x128xi32, #tpu.memory_space<vmem>>) target_semaphore(%run_scoped3A : memref<!tpu.dma_semaphore, #tpu.memory_space<semaphore_mem>>)
        %dma_wait3A = arith.constant 0 : i32
        %dma_wait3A_73 = tpu.memref_slice %arg4[%mul3A_2, %dma_wait3A] : memref<1280x128xi32, #tpu.memory_space<hbm>> -> memref<40x128xi32, #tpu.memory_space<hbm>>
        %dma_wait3A_74 = arith.constant 0 : i32
        %dma_wait3A_75 = tpu.memref_slice %arg4[%mul3A_2, %dma_wait3A_74] : memref<1280x128xi32, #tpu.memory_space<hbm>> -> memref<40x128xi32, #tpu.memory_space<hbm>>
        tpu.wait_dma2 semaphore(%run_scoped3A : memref<!tpu.dma_semaphore, #tpu.memory_space<semaphore_mem>>) src(%dma_wait3A_75 : memref<40x128xi32, #tpu.memory_space<hbm>>) dst(%arg8 : memref<40x128xi32, #tpu.memory_space<vmem>>)
        tpu.yield
      }) : () -> ()
    } else {
    }
    %gt3A = arith.constant 0 : i32
    %gt3A_8 = arith.cmpi sgt, %max3A_5, %gt3A : i32
    %lt3A = arith.constant 40 : i32
    %lt3A_9 = arith.cmpi slt, %max3A_5, %lt3A : i32
    %and3A = arith.andi %gt3A_8, %lt3A_9 : i1
    %convert_element_type3A_10 = arith.extui %and3A : i1 to i32
    %cond3A_11 = arith.constant 0 : i32
    %cond3A_12 = arith.cmpi ne, %convert_element_type3A_10, %cond3A_11 : i32
    scf.if %cond3A_12 {
      "tpu.region"() ({
        %run_scoped3A = tpu.sem_alloc : memref<!tpu.dma_semaphore, #tpu.memory_space<semaphore_mem>>
        %dma_start3A = arith.constant 0 : i32
        %dma_start3A_70 = arith.constant 0 : i32
        %dma_start3A_71 = tpu.memref_slice %arg8[%dma_start3A, %dma_start3A_70] : memref<40x128xi32, #tpu.memory_space<vmem>> -> memref<24x128xi32, #tpu.memory_space<vmem>>
        %dma_start3A_72 = arith.constant 0 : i32
        %dma_start3A_73 = tpu.memref_slice %arg4[%mul3A_2, %dma_start3A_72] : memref<1280x128xi32, #tpu.memory_space<hbm>> -> memref<24x128xi32, #tpu.memory_space<hbm>>
        %dma_start3A_74 = arith.constant 0 : i32
        %dma_start3A_75 = arith.constant 0 : i32
        %dma_start3A_76 = tpu.memref_slice %arg8[%dma_start3A_74, %dma_start3A_75] : memref<40x128xi32, #tpu.memory_space<vmem>> -> memref<24x128xi32, #tpu.memory_space<vmem>>
        %dma_start3A_77 = arith.constant 0 : i32
        %dma_start3A_78 = tpu.memref_slice %arg4[%mul3A_2, %dma_start3A_77] : memref<1280x128xi32, #tpu.memory_space<hbm>> -> memref<24x128xi32, #tpu.memory_space<hbm>>
        tpu.enqueue_dma source(%dma_start3A_78 : memref<24x128xi32, #tpu.memory_space<hbm>>) target(%dma_start3A_76 : memref<24x128xi32, #tpu.memory_space<vmem>>) target_semaphore(%run_scoped3A : memref<!tpu.dma_semaphore, #tpu.memory_space<semaphore_mem>>)
        %dma_wait3A = arith.constant 0 : i32
        %dma_wait3A_79 = arith.constant 0 : i32
        %dma_wait3A_80 = tpu.memref_slice %arg8[%dma_wait3A, %dma_wait3A_79] : memref<40x128xi32, #tpu.memory_space<vmem>> -> memref<24x128xi32, #tpu.memory_space<vmem>>
        %dma_wait3A_81 = arith.constant 0 : i32
        %dma_wait3A_82 = tpu.memref_slice %arg4[%mul3A_2, %dma_wait3A_81] : memref<1280x128xi32, #tpu.memory_space<hbm>> -> memref<24x128xi32, #tpu.memory_space<hbm>>
        %dma_wait3A_83 = arith.constant 0 : i32
        %dma_wait3A_84 = arith.constant 0 : i32
        %dma_wait3A_85 = tpu.memref_slice %arg8[%dma_wait3A_83, %dma_wait3A_84] : memref<40x128xi32, #tpu.memory_space<vmem>> -> memref<24x128xi32, #tpu.memory_space<vmem>>
        %dma_wait3A_86 = arith.constant 0 : i32
        %dma_wait3A_87 = tpu.memref_slice %arg4[%mul3A_2, %dma_wait3A_86] : memref<1280x128xi32, #tpu.memory_space<hbm>> -> memref<24x128xi32, #tpu.memory_space<hbm>>
        tpu.wait_dma2 semaphore(%run_scoped3A : memref<!tpu.dma_semaphore, #tpu.memory_space<semaphore_mem>>) src(%dma_wait3A_87 : memref<24x128xi32, #tpu.memory_space<hbm>>) dst(%dma_wait3A_85 : memref<24x128xi32, #tpu.memory_space<vmem>>)
        tpu.yield
      }) : () -> ()
    } else {
    }
    %ge3A_13 = arith.constant 40 : i32
    %ge3A_14 = arith.cmpi sge, %max3A_5, %ge3A_13 : i32
    %convert_element_type3A_15 = arith.extui %ge3A_14 : i1 to i32
    %cond3A_16 = arith.constant 0 : i32
    %cond3A_17 = arith.cmpi ne, %convert_element_type3A_15, %cond3A_16 : i32
    scf.if %cond3A_17 {
      "tpu.region"() ({
        %run_scoped3A = tpu.sem_alloc : memref<!tpu.dma_semaphore, #tpu.memory_space<semaphore_mem>>
        %dma_start3A = arith.constant 0 : i32
        %dma_start3A_70 = tpu.memref_slice %arg5[%mul3A_2, %dma_start3A] : memref<1280x128xi32, #tpu.memory_space<hbm>> -> memref<40x128xi32, #tpu.memory_space<hbm>>
        %dma_start3A_71 = arith.constant 0 : i32
        %dma_start3A_72 = tpu.memref_slice %arg5[%mul3A_2, %dma_start3A_71] : memref<1280x128xi32, #tpu.memory_space<hbm>> -> memref<40x128xi32, #tpu.memory_space<hbm>>
        tpu.enqueue_dma source(%dma_start3A_72 : memref<40x128xi32, #tpu.memory_space<hbm>>) target(%arg9 : memref<40x128xi32, #tpu.memory_space<vmem>>) target_semaphore(%run_scoped3A : memref<!tpu.dma_semaphore, #tpu.memory_space<semaphore_mem>>)
        %dma_wait3A = arith.constant 0 : i32
        %dma_wait3A_73 = tpu.memref_slice %arg5[%mul3A_2, %dma_wait3A] : memref<1280x128xi32, #tpu.memory_space<hbm>> -> memref<40x128xi32, #tpu.memory_space<hbm>>
        %dma_wait3A_74 = arith.constant 0 : i32
        %dma_wait3A_75 = tpu.memref_slice %arg5[%mul3A_2, %dma_wait3A_74] : memref<1280x128xi32, #tpu.memory_space<hbm>> -> memref<40x128xi32, #tpu.memory_space<hbm>>
        tpu.wait_dma2 semaphore(%run_scoped3A : memref<!tpu.dma_semaphore, #tpu.memory_space<semaphore_mem>>) src(%dma_wait3A_75 : memref<40x128xi32, #tpu.memory_space<hbm>>) dst(%arg9 : memref<40x128xi32, #tpu.memory_space<vmem>>)
        tpu.yield
      }) : () -> ()
    } else {
    }
    %gt3A_18 = arith.constant 0 : i32
    %gt3A_19 = arith.cmpi sgt, %max3A_5, %gt3A_18 : i32
    %lt3A_20 = arith.constant 40 : i32
    %lt3A_21 = arith.cmpi slt, %max3A_5, %lt3A_20 : i32
    %and3A_22 = arith.andi %gt3A_19, %lt3A_21 : i1
    %convert_element_type3A_23 = arith.extui %and3A_22 : i1 to i32
    %cond3A_24 = arith.constant 0 : i32
    %cond3A_25 = arith.cmpi ne, %convert_element_type3A_23, %cond3A_24 : i32
    scf.if %cond3A_25 {
      "tpu.region"() ({
        %run_scoped3A = tpu.sem_alloc : memref<!tpu.dma_semaphore, #tpu.memory_space<semaphore_mem>>
        %dma_start3A = arith.constant 0 : i32
        %dma_start3A_70 = arith.constant 0 : i32
        %dma_start3A_71 = tpu.memref_slice %arg9[%dma_start3A, %dma_start3A_70] : memref<40x128xi32, #tpu.memory_space<vmem>> -> memref<24x128xi32, #tpu.memory_space<vmem>>
        %dma_start3A_72 = arith.constant 0 : i32
        %dma_start3A_73 = tpu.memref_slice %arg5[%mul3A_2, %dma_start3A_72] : memref<1280x128xi32, #tpu.memory_space<hbm>> -> memref<24x128xi32, #tpu.memory_space<hbm>>
        %dma_start3A_74 = arith.constant 0 : i32
        %dma_start3A_75 = arith.constant 0 : i32
        %dma_start3A_76 = tpu.memref_slice %arg9[%dma_start3A_74, %dma_start3A_75] : memref<40x128xi32, #tpu.memory_space<vmem>> -> memref<24x128xi32, #tpu.memory_space<vmem>>
        %dma_start3A_77 = arith.constant 0 : i32
        %dma_start3A_78 = tpu.memref_slice %arg5[%mul3A_2, %dma_start3A_77] : memref<1280x128xi32, #tpu.memory_space<hbm>> -> memref<24x128xi32, #tpu.memory_space<hbm>>
        tpu.enqueue_dma source(%dma_start3A_78 : memref<24x128xi32, #tpu.memory_space<hbm>>) target(%dma_start3A_76 : memref<24x128xi32, #tpu.memory_space<vmem>>) target_semaphore(%run_scoped3A : memref<!tpu.dma_semaphore, #tpu.memory_space<semaphore_mem>>)
        %dma_wait3A = arith.constant 0 : i32
        %dma_wait3A_79 = arith.constant 0 : i32
        %dma_wait3A_80 = tpu.memref_slice %arg9[%dma_wait3A, %dma_wait3A_79] : memref<40x128xi32, #tpu.memory_space<vmem>> -> memref<24x128xi32, #tpu.memory_space<vmem>>
        %dma_wait3A_81 = arith.constant 0 : i32
        %dma_wait3A_82 = tpu.memref_slice %arg5[%mul3A_2, %dma_wait3A_81] : memref<1280x128xi32, #tpu.memory_space<hbm>> -> memref<24x128xi32, #tpu.memory_space<hbm>>
        %dma_wait3A_83 = arith.constant 0 : i32
        %dma_wait3A_84 = arith.constant 0 : i32
        %dma_wait3A_85 = tpu.memref_slice %arg9[%dma_wait3A_83, %dma_wait3A_84] : memref<40x128xi32, #tpu.memory_space<vmem>> -> memref<24x128xi32, #tpu.memory_space<vmem>>
        %dma_wait3A_86 = arith.constant 0 : i32
        %dma_wait3A_87 = tpu.memref_slice %arg5[%mul3A_2, %dma_wait3A_86] : memref<1280x128xi32, #tpu.memory_space<hbm>> -> memref<24x128xi32, #tpu.memory_space<hbm>>
        tpu.wait_dma2 semaphore(%run_scoped3A : memref<!tpu.dma_semaphore, #tpu.memory_space<semaphore_mem>>) src(%dma_wait3A_87 : memref<24x128xi32, #tpu.memory_space<hbm>>) dst(%dma_wait3A_85 : memref<24x128xi32, #tpu.memory_space<vmem>>)
        tpu.yield
      }) : () -> ()
    } else {
    }
    %gt3A_26 = arith.constant 0 : i32
    %gt3A_27 = arith.cmpi sgt, %max3A_5, %gt3A_26 : i32
    %convert_element_type3A_28 = arith.extui %gt3A_27 : i1 to i32
    %cond3A_29 = arith.constant 0 : i32
    %cond3A_30 = arith.cmpi ne, %convert_element_type3A_28, %cond3A_29 : i32
    scf.if %cond3A_30 {
      %dma_start3A = arith.constant 0 : i32
      %dma_start3A_70 = arith.constant 0 : i32
      %dma_start3A_71 = tpu.memref_slice %arg8[%dma_start3A, %dma_start3A_70] : memref<40x128xi32, #tpu.memory_space<vmem>> -> memref<1x128xi32, #tpu.memory_space<vmem>>
      %dma_start3A_72 = tpu.memref_squeeze %dma_start3A_71 : memref<1x128xi32, #tpu.memory_space<vmem>> -> memref<128xi32, #tpu.memory_space<vmem>>
      %dma_start3A_73 = arith.constant 0 : i32
      %dma_start3A_74 = arith.constant 0 : i32
      %dma_start3A_75 = tpu.memref_slice %arg2[%dma_start3A_73, %dma_start3A_74] : memref<10000x128xi32, #tpu.memory_space<hbm>> -> memref<10000x128xi32, #tpu.memory_space<hbm>>
      tpu.enqueue_indirect_dma source(%dma_start3A_75 : memref<10000x128xi32, #tpu.memory_space<hbm>>) target(%arg10 : memref<128x128xi32, #tpu.memory_space<vmem>>) offsets(%dma_start3A_72 : memref<128xi32, #tpu.memory_space<vmem>>) semaphore(%arg14 : memref<!tpu.dma_semaphore, #tpu.memory_space<semaphore_mem>>)
      %dma_start3A_76 = arith.constant 0 : i32
      %dma_start3A_77 = arith.constant 0 : i32
      %dma_start3A_78 = tpu.memref_slice %arg9[%dma_start3A_76, %dma_start3A_77] : memref<40x128xi32, #tpu.memory_space<vmem>> -> memref<1x128xi32, #tpu.memory_space<vmem>>
      %dma_start3A_79 = tpu.memref_squeeze %dma_start3A_78 : memref<1x128xi32, #tpu.memory_space<vmem>> -> memref<128xi32, #tpu.memory_space<vmem>>
      %dma_start3A_80 = arith.constant 0 : i32
      %dma_start3A_81 = arith.constant 0 : i32
      %dma_start3A_82 = tpu.memref_slice %arg3[%dma_start3A_80, %dma_start3A_81] : memref<10000x128xf32, #tpu.memory_space<hbm>> -> memref<10000x128xf32, #tpu.memory_space<hbm>>
      tpu.enqueue_indirect_dma source(%dma_start3A_82 : memref<10000x128xf32, #tpu.memory_space<hbm>>) target(%arg12 : memref<128x128xf32, #tpu.memory_space<vmem>>) offsets(%dma_start3A_79 : memref<128xi32, #tpu.memory_space<vmem>>) semaphore(%arg16 : memref<!tpu.dma_semaphore, #tpu.memory_space<semaphore_mem>>)
    } else {
    }
    %add3A_31 = arith.constant 1 : i32
    %add3A_32 = arith.addi %max3A_5, %add3A_31 : i32
    %jit3A = arith.constant 2 : i32
    %div3A = arith.divsi %add3A_32, %jit3A : i32
    %sign3A = arith.constant 0 : i32
    %sign3A_33 = arith.cmpi sgt, %add3A_32, %sign3A : i32
    %sign3A_34 = arith.extui %sign3A_33 : i1 to i32
    %sign3A_35 = arith.constant 0 : i32
    %sign3A_36 = arith.cmpi slt, %add3A_32, %sign3A_35 : i32
    %sign3A_37 = arith.extui %sign3A_36 : i1 to i32
    %sign3A_38 = arith.subi %sign3A_34, %sign3A_37 : i32
    %sign3A_39 = arith.constant 0 : i32
    %sign3A_40 = arith.cmpi sgt, %jit3A, %sign3A_39 : i32
    %sign3A_41 = arith.extui %sign3A_40 : i1 to i32
    %sign3A_42 = arith.constant 0 : i32
    %sign3A_43 = arith.cmpi slt, %jit3A, %sign3A_42 : i32
    %sign3A_44 = arith.extui %sign3A_43 : i1 to i32
    %sign3A_45 = arith.subi %sign3A_41, %sign3A_44 : i32
    %ne3A = arith.cmpi ne, %sign3A_38, %sign3A_45 : i32
    %rem3A = arith.remsi %add3A_32, %jit3A : i32
    %ne3A_46 = arith.constant 0 : i32
    %ne3A_47 = arith.cmpi ne, %rem3A, %ne3A_46 : i32
    %and3A_48 = arith.andi %ne3A, %ne3A_47 : i1
    %sub3A_49 = arith.constant 1 : i32
    %sub3A_50 = arith.subi %div3A, %sub3A_49 : i32
    %select_n3A = arith.select %and3A_48, %sub3A_50, %div3A : i32
    %while3A = arith.constant 0 : i32
    %while3A_51 = arith.constant 0 : i32
    %while3A_52 = arith.subi %select_n3A, %while3A_51 : i32
    %while3A_53 = arith.addi %while3A_51, %while3A_52 : i32
    %while3A_54 = arith.constant 1 : i32
    %while3A_55 = arith.divsi %while3A_52, %while3A_54 : i32
    %while3A_56 = arith.muli %while3A_55, %while3A_54 : i32
    %while3A_57 = arith.addi %while3A_51, %while3A_56 : i32
    %while3A_58 = arith.constant 1 : i32
    scf.for %while3A_70 = %while3A_51 to %while3A_57 step %while3A_58  : i32 {
      %mul3A_71 = arith.constant 2 : i32
      %mul3A_72 = arith.muli %mul3A_71, %while3A_70 : i32
      %dma_wait3A = arith.constant 0 : i32
      %dma_wait3A_73 = arith.constant 0 : i32
      %dma_wait3A_74 = tpu.memref_slice %arg8[%dma_wait3A, %dma_wait3A_73] : memref<40x128xi32, #tpu.memory_space<vmem>> -> memref<1x128xi32, #tpu.memory_space<vmem>>
      %dma_wait3A_75 = tpu.memref_squeeze %dma_wait3A_74 : memref<1x128xi32, #tpu.memory_space<vmem>> -> memref<128xi32, #tpu.memory_space<vmem>>
      %dma_wait3A_76 = arith.constant 0 : i32
      %dma_wait3A_77 = arith.constant 0 : i32
      %dma_wait3A_78 = tpu.memref_slice %arg2[%dma_wait3A_76, %dma_wait3A_77] : memref<10000x128xi32, #tpu.memory_space<hbm>> -> memref<10000x128xi32, #tpu.memory_space<hbm>>
      tpu.wait_indirect_dma semaphore(%arg14 : memref<!tpu.dma_semaphore, #tpu.memory_space<semaphore_mem>>) src(%dma_wait3A_78 : memref<10000x128xi32, #tpu.memory_space<hbm>>) dst(%arg10 : memref<128x128xi32, #tpu.memory_space<vmem>>)
      %dma_wait3A_79 = arith.constant 0 : i32
      %dma_wait3A_80 = arith.constant 0 : i32
      %dma_wait3A_81 = tpu.memref_slice %arg9[%dma_wait3A_79, %dma_wait3A_80] : memref<40x128xi32, #tpu.memory_space<vmem>> -> memref<1x128xi32, #tpu.memory_space<vmem>>
      %dma_wait3A_82 = tpu.memref_squeeze %dma_wait3A_81 : memref<1x128xi32, #tpu.memory_space<vmem>> -> memref<128xi32, #tpu.memory_space<vmem>>
      %dma_wait3A_83 = arith.constant 0 : i32
      %dma_wait3A_84 = arith.constant 0 : i32
      %dma_wait3A_85 = tpu.memref_slice %arg3[%dma_wait3A_83, %dma_wait3A_84] : memref<10000x128xf32, #tpu.memory_space<hbm>> -> memref<10000x128xf32, #tpu.memory_space<hbm>>
      tpu.wait_indirect_dma semaphore(%arg16 : memref<!tpu.dma_semaphore, #tpu.memory_space<semaphore_mem>>) src(%dma_wait3A_85 : memref<10000x128xf32, #tpu.memory_space<hbm>>) dst(%arg12 : memref<128x128xf32, #tpu.memory_space<vmem>>)
      %add3A_86 = arith.constant 1 : i32
      %add3A_87 = arith.addi %mul3A_72, %add3A_86 : i32
      %lt3A_88 = arith.cmpi slt, %add3A_87, %max3A_5 : i32
      %convert_element_type3A_89 = arith.extui %lt3A_88 : i1 to i32
      %cond3A_90 = arith.constant 0 : i32
      %cond3A_91 = arith.cmpi ne, %convert_element_type3A_89, %cond3A_90 : i32
      scf.if %cond3A_91 {
        %gt3A_108 = arith.constant 0 : i32
        %gt3A_109 = arith.cmpi sgt, %while3A_70, %gt3A_108 : i32
        %convert_element_type3A_110 = arith.extui %gt3A_109 : i1 to i32
        %cond3A_111 = arith.constant 0 : i32
        %cond3A_112 = arith.cmpi ne, %convert_element_type3A_110, %cond3A_111 : i32
        scf.if %cond3A_112 {
          %dma_wait3A_127 = arith.constant 0 : i32
          %dma_wait3A_128 = arith.constant 0 : i32
          %dma_wait3A_129 = tpu.memref_slice %arg6[%dma_wait3A_127, %dma_wait3A_128] : memref<163840x128xi32, #tpu.memory_space<hbm>> -> memref<128x128xi32, #tpu.memory_space<hbm>>
          %dma_wait3A_130 = arith.constant 0 : i32
          %dma_wait3A_131 = arith.constant 0 : i32
          %dma_wait3A_132 = tpu.memref_slice %arg6[%dma_wait3A_130, %dma_wait3A_131] : memref<163840x128xi32, #tpu.memory_space<hbm>> -> memref<128x128xi32, #tpu.memory_space<hbm>>
          tpu.wait_dma2 semaphore(%arg19 : memref<!tpu.dma_semaphore, #tpu.memory_space<semaphore_mem>>) src(%arg11 : memref<128x128xi32, #tpu.memory_space<vmem>>) dst(%dma_wait3A_132 : memref<128x128xi32, #tpu.memory_space<hbm>>)
          %dma_wait3A_133 = arith.constant 0 : i32
          %dma_wait3A_134 = arith.constant 0 : i32
          %dma_wait3A_135 = tpu.memref_slice %arg7[%dma_wait3A_133, %dma_wait3A_134] : memref<163840x128xf32, #tpu.memory_space<hbm>> -> memref<128x128xf32, #tpu.memory_space<hbm>>
          %dma_wait3A_136 = arith.constant 0 : i32
          %dma_wait3A_137 = arith.constant 0 : i32
          %dma_wait3A_138 = tpu.memref_slice %arg7[%dma_wait3A_136, %dma_wait3A_137] : memref<163840x128xf32, #tpu.memory_space<hbm>> -> memref<128x128xf32, #tpu.memory_space<hbm>>
          tpu.wait_dma2 semaphore(%arg21 : memref<!tpu.dma_semaphore, #tpu.memory_space<semaphore_mem>>) src(%arg13 : memref<128x128xf32, #tpu.memory_space<vmem>>) dst(%dma_wait3A_138 : memref<128x128xf32, #tpu.memory_space<hbm>>)
        } else {
        }
        %add3A_113 = arith.constant 1 : i32
        %add3A_114 = arith.addi %mul3A_72, %add3A_113 : i32
        %dma_start3A_115 = arith.constant 0 : i32
        %dma_start3A_116 = tpu.memref_slice %arg8[%add3A_114, %dma_start3A_115] : memref<40x128xi32, #tpu.memory_space<vmem>> -> memref<1x128xi32, #tpu.memory_space<vmem>>
        %dma_start3A_117 = tpu.memref_squeeze %dma_start3A_116 : memref<1x128xi32, #tpu.memory_space<vmem>> -> memref<128xi32, #tpu.memory_space<vmem>>
        %dma_start3A_118 = arith.constant 0 : i32
        %dma_start3A_119 = arith.constant 0 : i32
        %dma_start3A_120 = tpu.memref_slice %arg2[%dma_start3A_118, %dma_start3A_119] : memref<10000x128xi32, #tpu.memory_space<hbm>> -> memref<10000x128xi32, #tpu.memory_space<hbm>>
        tpu.enqueue_indirect_dma source(%dma_start3A_120 : memref<10000x128xi32, #tpu.memory_space<hbm>>) target(%arg11 : memref<128x128xi32, #tpu.memory_space<vmem>>) offsets(%dma_start3A_117 : memref<128xi32, #tpu.memory_space<vmem>>) semaphore(%arg15 : memref<!tpu.dma_semaphore, #tpu.memory_space<semaphore_mem>>)
        %dma_start3A_121 = arith.constant 0 : i32
        %dma_start3A_122 = tpu.memref_slice %arg9[%add3A_114, %dma_start3A_121] : memref<40x128xi32, #tpu.memory_space<vmem>> -> memref<1x128xi32, #tpu.memory_space<vmem>>
        %dma_start3A_123 = tpu.memref_squeeze %dma_start3A_122 : memref<1x128xi32, #tpu.memory_space<vmem>> -> memref<128xi32, #tpu.memory_space<vmem>>
        %dma_start3A_124 = arith.constant 0 : i32
        %dma_start3A_125 = arith.constant 0 : i32
        %dma_start3A_126 = tpu.memref_slice %arg3[%dma_start3A_124, %dma_start3A_125] : memref<10000x128xf32, #tpu.memory_space<hbm>> -> memref<10000x128xf32, #tpu.memory_space<hbm>>
        tpu.enqueue_indirect_dma source(%dma_start3A_126 : memref<10000x128xf32, #tpu.memory_space<hbm>>) target(%arg13 : memref<128x128xf32, #tpu.memory_space<vmem>>) offsets(%dma_start3A_123 : memref<128xi32, #tpu.memory_space<vmem>>) semaphore(%arg17 : memref<!tpu.dma_semaphore, #tpu.memory_space<semaphore_mem>>)
      } else {
      }
      %add3A_92 = arith.addi %mul3A_2, %mul3A_72 : i32
      %mul3A_93 = arith.constant 128 : i32
      %mul3A_94 = arith.muli %add3A_92, %mul3A_93 : i32
      %dma_start3A = arith.constant 0 : i32
      %dma_start3A_95 = tpu.memref_slice %arg6[%mul3A_94, %dma_start3A] : memref<163840x128xi32, #tpu.memory_space<hbm>> -> memref<128x128xi32, #tpu.memory_space<hbm>>
      %dma_start3A_96 = arith.constant 0 : i32
      %dma_start3A_97 = tpu.memref_slice %arg6[%mul3A_94, %dma_start3A_96] : memref<163840x128xi32, #tpu.memory_space<hbm>> -> memref<128x128xi32, #tpu.memory_space<hbm>>
      tpu.enqueue_dma source(%arg10 : memref<128x128xi32, #tpu.memory_space<vmem>>) target(%dma_start3A_97 : memref<128x128xi32, #tpu.memory_space<hbm>>) target_semaphore(%arg18 : memref<!tpu.dma_semaphore, #tpu.memory_space<semaphore_mem>>)
      %dma_start3A_98 = arith.constant 0 : i32
      %dma_start3A_99 = tpu.memref_slice %arg7[%mul3A_94, %dma_start3A_98] : memref<163840x128xf32, #tpu.memory_space<hbm>> -> memref<128x128xf32, #tpu.memory_space<hbm>>
      %dma_start3A_100 = arith.constant 0 : i32
      %dma_start3A_101 = tpu.memref_slice %arg7[%mul3A_94, %dma_start3A_100] : memref<163840x128xf32, #tpu.memory_space<hbm>> -> memref<128x128xf32, #tpu.memory_space<hbm>>
      tpu.enqueue_dma source(%arg12 : memref<128x128xf32, #tpu.memory_space<vmem>>) target(%dma_start3A_101 : memref<128x128xf32, #tpu.memory_space<hbm>>) target_semaphore(%arg20 : memref<!tpu.dma_semaphore, #tpu.memory_space<semaphore_mem>>)
      %add3A_102 = arith.constant 1 : i32
      %add3A_103 = arith.addi %mul3A_72, %add3A_102 : i32
      %lt3A_104 = arith.cmpi slt, %add3A_103, %max3A_5 : i32
      %convert_element_type3A_105 = arith.extui %lt3A_104 : i1 to i32
      %cond3A_106 = arith.constant 0 : i32
      %cond3A_107 = arith.cmpi ne, %convert_element_type3A_105, %cond3A_106 : i32
      scf.if %cond3A_107 {
        %dma_wait3A_108 = arith.constant 0 : i32
        %dma_wait3A_109 = arith.constant 0 : i32
        %dma_wait3A_110 = tpu.memref_slice %arg8[%dma_wait3A_108, %dma_wait3A_109] : memref<40x128xi32, #tpu.memory_space<vmem>> -> memref<1x128xi32, #tpu.memory_space<vmem>>
        %dma_wait3A_111 = tpu.memref_squeeze %dma_wait3A_110 : memref<1x128xi32, #tpu.memory_space<vmem>> -> memref<128xi32, #tpu.memory_space<vmem>>
        %dma_wait3A_112 = arith.constant 0 : i32
        %dma_wait3A_113 = arith.constant 0 : i32
        %dma_wait3A_114 = tpu.memref_slice %arg2[%dma_wait3A_112, %dma_wait3A_113] : memref<10000x128xi32, #tpu.memory_space<hbm>> -> memref<10000x128xi32, #tpu.memory_space<hbm>>
        tpu.wait_indirect_dma semaphore(%arg15 : memref<!tpu.dma_semaphore, #tpu.memory_space<semaphore_mem>>) src(%dma_wait3A_114 : memref<10000x128xi32, #tpu.memory_space<hbm>>) dst(%arg11 : memref<128x128xi32, #tpu.memory_space<vmem>>)
        %dma_wait3A_115 = arith.constant 0 : i32
        %dma_wait3A_116 = arith.constant 0 : i32
        %dma_wait3A_117 = tpu.memref_slice %arg9[%dma_wait3A_115, %dma_wait3A_116] : memref<40x128xi32, #tpu.memory_space<vmem>> -> memref<1x128xi32, #tpu.memory_space<vmem>>
        %dma_wait3A_118 = tpu.memref_squeeze %dma_wait3A_117 : memref<1x128xi32, #tpu.memory_space<vmem>> -> memref<128xi32, #tpu.memory_space<vmem>>
        %dma_wait3A_119 = arith.constant 0 : i32
        %dma_wait3A_120 = arith.constant 0 : i32
        %dma_wait3A_121 = tpu.memref_slice %arg3[%dma_wait3A_119, %dma_wait3A_120] : memref<10000x128xf32, #tpu.memory_space<hbm>> -> memref<10000x128xf32, #tpu.memory_space<hbm>>
        tpu.wait_indirect_dma semaphore(%arg17 : memref<!tpu.dma_semaphore, #tpu.memory_space<semaphore_mem>>) src(%dma_wait3A_121 : memref<10000x128xf32, #tpu.memory_space<hbm>>) dst(%arg13 : memref<128x128xf32, #tpu.memory_space<vmem>>)
        %add3A_122 = arith.constant 2 : i32
        %add3A_123 = arith.addi %mul3A_72, %add3A_122 : i32
        %lt3A_124 = arith.cmpi slt, %add3A_123, %max3A_5 : i32
        %convert_element_type3A_125 = arith.extui %lt3A_124 : i1 to i32
        %cond3A_126 = arith.constant 0 : i32
        %cond3A_127 = arith.cmpi ne, %convert_element_type3A_125, %cond3A_126 : i32
        scf.if %cond3A_127 {
          %dma_wait3A_141 = arith.constant 0 : i32
          %dma_wait3A_142 = arith.constant 0 : i32
          %dma_wait3A_143 = tpu.memref_slice %arg6[%dma_wait3A_141, %dma_wait3A_142] : memref<163840x128xi32, #tpu.memory_space<hbm>> -> memref<128x128xi32, #tpu.memory_space<hbm>>
          %dma_wait3A_144 = arith.constant 0 : i32
          %dma_wait3A_145 = arith.constant 0 : i32
          %dma_wait3A_146 = tpu.memref_slice %arg6[%dma_wait3A_144, %dma_wait3A_145] : memref<163840x128xi32, #tpu.memory_space<hbm>> -> memref<128x128xi32, #tpu.memory_space<hbm>>
          tpu.wait_dma2 semaphore(%arg18 : memref<!tpu.dma_semaphore, #tpu.memory_space<semaphore_mem>>) src(%arg10 : memref<128x128xi32, #tpu.memory_space<vmem>>) dst(%dma_wait3A_146 : memref<128x128xi32, #tpu.memory_space<hbm>>)
          %dma_wait3A_147 = arith.constant 0 : i32
          %dma_wait3A_148 = arith.constant 0 : i32
          %dma_wait3A_149 = tpu.memref_slice %arg7[%dma_wait3A_147, %dma_wait3A_148] : memref<163840x128xf32, #tpu.memory_space<hbm>> -> memref<128x128xf32, #tpu.memory_space<hbm>>
          %dma_wait3A_150 = arith.constant 0 : i32
          %dma_wait3A_151 = arith.constant 0 : i32
          %dma_wait3A_152 = tpu.memref_slice %arg7[%dma_wait3A_150, %dma_wait3A_151] : memref<163840x128xf32, #tpu.memory_space<hbm>> -> memref<128x128xf32, #tpu.memory_space<hbm>>
          tpu.wait_dma2 semaphore(%arg20 : memref<!tpu.dma_semaphore, #tpu.memory_space<semaphore_mem>>) src(%arg12 : memref<128x128xf32, #tpu.memory_space<vmem>>) dst(%dma_wait3A_152 : memref<128x128xf32, #tpu.memory_space<hbm>>)
          %add3A_153 = arith.constant 2 : i32
          %add3A_154 = arith.addi %mul3A_72, %add3A_153 : i32
          %dma_start3A_155 = arith.constant 0 : i32
          %dma_start3A_156 = tpu.memref_slice %arg8[%add3A_154, %dma_start3A_155] : memref<40x128xi32, #tpu.memory_space<vmem>> -> memref<1x128xi32, #tpu.memory_space<vmem>>
          %dma_start3A_157 = tpu.memref_squeeze %dma_start3A_156 : memref<1x128xi32, #tpu.memory_space<vmem>> -> memref<128xi32, #tpu.memory_space<vmem>>
          %dma_start3A_158 = arith.constant 0 : i32
          %dma_start3A_159 = arith.constant 0 : i32
          %dma_start3A_160 = tpu.memref_slice %arg2[%dma_start3A_158, %dma_start3A_159] : memref<10000x128xi32, #tpu.memory_space<hbm>> -> memref<10000x128xi32, #tpu.memory_space<hbm>>
          tpu.enqueue_indirect_dma source(%dma_start3A_160 : memref<10000x128xi32, #tpu.memory_space<hbm>>) target(%arg10 : memref<128x128xi32, #tpu.memory_space<vmem>>) offsets(%dma_start3A_157 : memref<128xi32, #tpu.memory_space<vmem>>) semaphore(%arg14 : memref<!tpu.dma_semaphore, #tpu.memory_space<semaphore_mem>>)
          %dma_start3A_161 = arith.constant 0 : i32
          %dma_start3A_162 = tpu.memref_slice %arg9[%add3A_154, %dma_start3A_161] : memref<40x128xi32, #tpu.memory_space<vmem>> -> memref<1x128xi32, #tpu.memory_space<vmem>>
          %dma_start3A_163 = tpu.memref_squeeze %dma_start3A_162 : memref<1x128xi32, #tpu.memory_space<vmem>> -> memref<128xi32, #tpu.memory_space<vmem>>
          %dma_start3A_164 = arith.constant 0 : i32
          %dma_start3A_165 = arith.constant 0 : i32
          %dma_start3A_166 = tpu.memref_slice %arg3[%dma_start3A_164, %dma_start3A_165] : memref<10000x128xf32, #tpu.memory_space<hbm>> -> memref<10000x128xf32, #tpu.memory_space<hbm>>
          tpu.enqueue_indirect_dma source(%dma_start3A_166 : memref<10000x128xf32, #tpu.memory_space<hbm>>) target(%arg12 : memref<128x128xf32, #tpu.memory_space<vmem>>) offsets(%dma_start3A_163 : memref<128xi32, #tpu.memory_space<vmem>>) semaphore(%arg16 : memref<!tpu.dma_semaphore, #tpu.memory_space<semaphore_mem>>)
        } else {
        }
        %add3A_128 = arith.constant 1 : i32
        %add3A_129 = arith.addi %mul3A_72, %add3A_128 : i32
        %add3A_130 = arith.addi %mul3A_2, %add3A_129 : i32
        %mul3A_131 = arith.constant 128 : i32
        %mul3A_132 = arith.muli %add3A_130, %mul3A_131 : i32
        %dma_start3A_133 = arith.constant 0 : i32
        %dma_start3A_134 = tpu.memref_slice %arg6[%mul3A_132, %dma_start3A_133] : memref<163840x128xi32, #tpu.memory_space<hbm>> -> memref<128x128xi32, #tpu.memory_space<hbm>>
        %dma_start3A_135 = arith.constant 0 : i32
        %dma_start3A_136 = tpu.memref_slice %arg6[%mul3A_132, %dma_start3A_135] : memref<163840x128xi32, #tpu.memory_space<hbm>> -> memref<128x128xi32, #tpu.memory_space<hbm>>
        tpu.enqueue_dma source(%arg11 : memref<128x128xi32, #tpu.memory_space<vmem>>) target(%dma_start3A_136 : memref<128x128xi32, #tpu.memory_space<hbm>>) target_semaphore(%arg19 : memref<!tpu.dma_semaphore, #tpu.memory_space<semaphore_mem>>)
        %dma_start3A_137 = arith.constant 0 : i32
        %dma_start3A_138 = tpu.memref_slice %arg7[%mul3A_132, %dma_start3A_137] : memref<163840x128xf32, #tpu.memory_space<hbm>> -> memref<128x128xf32, #tpu.memory_space<hbm>>
        %dma_start3A_139 = arith.constant 0 : i32
        %dma_start3A_140 = tpu.memref_slice %arg7[%mul3A_132, %dma_start3A_139] : memref<163840x128xf32, #tpu.memory_space<hbm>> -> memref<128x128xf32, #tpu.memory_space<hbm>>
        tpu.enqueue_dma source(%arg13 : memref<128x128xf32, #tpu.memory_space<vmem>>) target(%dma_start3A_140 : memref<128x128xf32, #tpu.memory_space<hbm>>) target_semaphore(%arg21 : memref<!tpu.dma_semaphore, #tpu.memory_space<semaphore_mem>>)
      } else {
      }
    }
    %while3A_59 = arith.constant 1 : i32
    scf.for %while3A_70 = %while3A_57 to %while3A_53 step %while3A_59  : i32 {
      %mul3A_71 = arith.constant 2 : i32
      %mul3A_72 = arith.muli %mul3A_71, %while3A_70 : i32
      %dma_wait3A = arith.constant 0 : i32
      %dma_wait3A_73 = arith.constant 0 : i32
      %dma_wait3A_74 = tpu.memref_slice %arg8[%dma_wait3A, %dma_wait3A_73] : memref<40x128xi32, #tpu.memory_space<vmem>> -> memref<1x128xi32, #tpu.memory_space<vmem>>
      %dma_wait3A_75 = tpu.memref_squeeze %dma_wait3A_74 : memref<1x128xi32, #tpu.memory_space<vmem>> -> memref<128xi32, #tpu.memory_space<vmem>>
      %dma_wait3A_76 = arith.constant 0 : i32
      %dma_wait3A_77 = arith.constant 0 : i32
      %dma_wait3A_78 = tpu.memref_slice %arg2[%dma_wait3A_76, %dma_wait3A_77] : memref<10000x128xi32, #tpu.memory_space<hbm>> -> memref<10000x128xi32, #tpu.memory_space<hbm>>
      tpu.wait_indirect_dma semaphore(%arg14 : memref<!tpu.dma_semaphore, #tpu.memory_space<semaphore_mem>>) src(%dma_wait3A_78 : memref<10000x128xi32, #tpu.memory_space<hbm>>) dst(%arg10 : memref<128x128xi32, #tpu.memory_space<vmem>>)
      %dma_wait3A_79 = arith.constant 0 : i32
      %dma_wait3A_80 = arith.constant 0 : i32
      %dma_wait3A_81 = tpu.memref_slice %arg9[%dma_wait3A_79, %dma_wait3A_80] : memref<40x128xi32, #tpu.memory_space<vmem>> -> memref<1x128xi32, #tpu.memory_space<vmem>>
      %dma_wait3A_82 = tpu.memref_squeeze %dma_wait3A_81 : memref<1x128xi32, #tpu.memory_space<vmem>> -> memref<128xi32, #tpu.memory_space<vmem>>
      %dma_wait3A_83 = arith.constant 0 : i32
      %dma_wait3A_84 = arith.constant 0 : i32
      %dma_wait3A_85 = tpu.memref_slice %arg3[%dma_wait3A_83, %dma_wait3A_84] : memref<10000x128xf32, #tpu.memory_space<hbm>> -> memref<10000x128xf32, #tpu.memory_space<hbm>>
      tpu.wait_indirect_dma semaphore(%arg16 : memref<!tpu.dma_semaphore, #tpu.memory_space<semaphore_mem>>) src(%dma_wait3A_85 : memref<10000x128xf32, #tpu.memory_space<hbm>>) dst(%arg12 : memref<128x128xf32, #tpu.memory_space<vmem>>)
      %add3A_86 = arith.constant 1 : i32
      %add3A_87 = arith.addi %mul3A_72, %add3A_86 : i32
      %lt3A_88 = arith.cmpi slt, %add3A_87, %max3A_5 : i32
      %convert_element_type3A_89 = arith.extui %lt3A_88 : i1 to i32
      %cond3A_90 = arith.constant 0 : i32
      %cond3A_91 = arith.cmpi ne, %convert_element_type3A_89, %cond3A_90 : i32
      scf.if %cond3A_91 {
        %gt3A_108 = arith.constant 0 : i32
        %gt3A_109 = arith.cmpi sgt, %while3A_70, %gt3A_108 : i32
        %convert_element_type3A_110 = arith.extui %gt3A_109 : i1 to i32
        %cond3A_111 = arith.constant 0 : i32
        %cond3A_112 = arith.cmpi ne, %convert_element_type3A_110, %cond3A_111 : i32
        scf.if %cond3A_112 {
          %dma_wait3A_127 = arith.constant 0 : i32
          %dma_wait3A_128 = arith.constant 0 : i32
          %dma_wait3A_129 = tpu.memref_slice %arg6[%dma_wait3A_127, %dma_wait3A_128] : memref<163840x128xi32, #tpu.memory_space<hbm>> -> memref<128x128xi32, #tpu.memory_space<hbm>>
          %dma_wait3A_130 = arith.constant 0 : i32
          %dma_wait3A_131 = arith.constant 0 : i32
          %dma_wait3A_132 = tpu.memref_slice %arg6[%dma_wait3A_130, %dma_wait3A_131] : memref<163840x128xi32, #tpu.memory_space<hbm>> -> memref<128x128xi32, #tpu.memory_space<hbm>>
          tpu.wait_dma2 semaphore(%arg19 : memref<!tpu.dma_semaphore, #tpu.memory_space<semaphore_mem>>) src(%arg11 : memref<128x128xi32, #tpu.memory_space<vmem>>) dst(%dma_wait3A_132 : memref<128x128xi32, #tpu.memory_space<hbm>>)
          %dma_wait3A_133 = arith.constant 0 : i32
          %dma_wait3A_134 = arith.constant 0 : i32
          %dma_wait3A_135 = tpu.memref_slice %arg7[%dma_wait3A_133, %dma_wait3A_134] : memref<163840x128xf32, #tpu.memory_space<hbm>> -> memref<128x128xf32, #tpu.memory_space<hbm>>
          %dma_wait3A_136 = arith.constant 0 : i32
          %dma_wait3A_137 = arith.constant 0 : i32
          %dma_wait3A_138 = tpu.memref_slice %arg7[%dma_wait3A_136, %dma_wait3A_137] : memref<163840x128xf32, #tpu.memory_space<hbm>> -> memref<128x128xf32, #tpu.memory_space<hbm>>
          tpu.wait_dma2 semaphore(%arg21 : memref<!tpu.dma_semaphore, #tpu.memory_space<semaphore_mem>>) src(%arg13 : memref<128x128xf32, #tpu.memory_space<vmem>>) dst(%dma_wait3A_138 : memref<128x128xf32, #tpu.memory_space<hbm>>)
        } else {
        }
        %add3A_113 = arith.constant 1 : i32
        %add3A_114 = arith.addi %mul3A_72, %add3A_113 : i32
        %dma_start3A_115 = arith.constant 0 : i32
        %dma_start3A_116 = tpu.memref_slice %arg8[%add3A_114, %dma_start3A_115] : memref<40x128xi32, #tpu.memory_space<vmem>> -> memref<1x128xi32, #tpu.memory_space<vmem>>
        %dma_start3A_117 = tpu.memref_squeeze %dma_start3A_116 : memref<1x128xi32, #tpu.memory_space<vmem>> -> memref<128xi32, #tpu.memory_space<vmem>>
        %dma_start3A_118 = arith.constant 0 : i32
        %dma_start3A_119 = arith.constant 0 : i32
        %dma_start3A_120 = tpu.memref_slice %arg2[%dma_start3A_118, %dma_start3A_119] : memref<10000x128xi32, #tpu.memory_space<hbm>> -> memref<10000x128xi32, #tpu.memory_space<hbm>>
        tpu.enqueue_indirect_dma source(%dma_start3A_120 : memref<10000x128xi32, #tpu.memory_space<hbm>>) target(%arg11 : memref<128x128xi32, #tpu.memory_space<vmem>>) offsets(%dma_start3A_117 : memref<128xi32, #tpu.memory_space<vmem>>) semaphore(%arg15 : memref<!tpu.dma_semaphore, #tpu.memory_space<semaphore_mem>>)
        %dma_start3A_121 = arith.constant 0 : i32
        %dma_start3A_122 = tpu.memref_slice %arg9[%add3A_114, %dma_start3A_121] : memref<40x128xi32, #tpu.memory_space<vmem>> -> memref<1x128xi32, #tpu.memory_space<vmem>>
        %dma_start3A_123 = tpu.memref_squeeze %dma_start3A_122 : memref<1x128xi32, #tpu.memory_space<vmem>> -> memref<128xi32, #tpu.memory_space<vmem>>
        %dma_start3A_124 = arith.constant 0 : i32
        %dma_start3A_125 = arith.constant 0 : i32
        %dma_start3A_126 = tpu.memref_slice %arg3[%dma_start3A_124, %dma_start3A_125] : memref<10000x128xf32, #tpu.memory_space<hbm>> -> memref<10000x128xf32, #tpu.memory_space<hbm>>
        tpu.enqueue_indirect_dma source(%dma_start3A_126 : memref<10000x128xf32, #tpu.memory_space<hbm>>) target(%arg13 : memref<128x128xf32, #tpu.memory_space<vmem>>) offsets(%dma_start3A_123 : memref<128xi32, #tpu.memory_space<vmem>>) semaphore(%arg17 : memref<!tpu.dma_semaphore, #tpu.memory_space<semaphore_mem>>)
      } else {
      }
      %add3A_92 = arith.addi %mul3A_2, %mul3A_72 : i32
      %mul3A_93 = arith.constant 128 : i32
      %mul3A_94 = arith.muli %add3A_92, %mul3A_93 : i32
      %dma_start3A = arith.constant 0 : i32
      %dma_start3A_95 = tpu.memref_slice %arg6[%mul3A_94, %dma_start3A] : memref<163840x128xi32, #tpu.memory_space<hbm>> -> memref<128x128xi32, #tpu.memory_space<hbm>>
      %dma_start3A_96 = arith.constant 0 : i32
      %dma_start3A_97 = tpu.memref_slice %arg6[%mul3A_94, %dma_start3A_96] : memref<163840x128xi32, #tpu.memory_space<hbm>> -> memref<128x128xi32, #tpu.memory_space<hbm>>
      tpu.enqueue_dma source(%arg10 : memref<128x128xi32, #tpu.memory_space<vmem>>) target(%dma_start3A_97 : memref<128x128xi32, #tpu.memory_space<hbm>>) target_semaphore(%arg18 : memref<!tpu.dma_semaphore, #tpu.memory_space<semaphore_mem>>)
      %dma_start3A_98 = arith.constant 0 : i32
      %dma_start3A_99 = tpu.memref_slice %arg7[%mul3A_94, %dma_start3A_98] : memref<163840x128xf32, #tpu.memory_space<hbm>> -> memref<128x128xf32, #tpu.memory_space<hbm>>
      %dma_start3A_100 = arith.constant 0 : i32
      %dma_start3A_101 = tpu.memref_slice %arg7[%mul3A_94, %dma_start3A_100] : memref<163840x128xf32, #tpu.memory_space<hbm>> -> memref<128x128xf32, #tpu.memory_space<hbm>>
      tpu.enqueue_dma source(%arg12 : memref<128x128xf32, #tpu.memory_space<vmem>>) target(%dma_start3A_101 : memref<128x128xf32, #tpu.memory_space<hbm>>) target_semaphore(%arg20 : memref<!tpu.dma_semaphore, #tpu.memory_space<semaphore_mem>>)
      %add3A_102 = arith.constant 1 : i32
      %add3A_103 = arith.addi %mul3A_72, %add3A_102 : i32
      %lt3A_104 = arith.cmpi slt, %add3A_103, %max3A_5 : i32
      %convert_element_type3A_105 = arith.extui %lt3A_104 : i1 to i32
      %cond3A_106 = arith.constant 0 : i32
      %cond3A_107 = arith.cmpi ne, %convert_element_type3A_105, %cond3A_106 : i32
      scf.if %cond3A_107 {
        %dma_wait3A_108 = arith.constant 0 : i32
        %dma_wait3A_109 = arith.constant 0 : i32
        %dma_wait3A_110 = tpu.memref_slice %arg8[%dma_wait3A_108, %dma_wait3A_109] : memref<40x128xi32, #tpu.memory_space<vmem>> -> memref<1x128xi32, #tpu.memory_space<vmem>>
        %dma_wait3A_111 = tpu.memref_squeeze %dma_wait3A_110 : memref<1x128xi32, #tpu.memory_space<vmem>> -> memref<128xi32, #tpu.memory_space<vmem>>
        %dma_wait3A_112 = arith.constant 0 : i32
        %dma_wait3A_113 = arith.constant 0 : i32
        %dma_wait3A_114 = tpu.memref_slice %arg2[%dma_wait3A_112, %dma_wait3A_113] : memref<10000x128xi32, #tpu.memory_space<hbm>> -> memref<10000x128xi32, #tpu.memory_space<hbm>>
        tpu.wait_indirect_dma semaphore(%arg15 : memref<!tpu.dma_semaphore, #tpu.memory_space<semaphore_mem>>) src(%dma_wait3A_114 : memref<10000x128xi32, #tpu.memory_space<hbm>>) dst(%arg11 : memref<128x128xi32, #tpu.memory_space<vmem>>)
        %dma_wait3A_115 = arith.constant 0 : i32
        %dma_wait3A_116 = arith.constant 0 : i32
        %dma_wait3A_117 = tpu.memref_slice %arg9[%dma_wait3A_115, %dma_wait3A_116] : memref<40x128xi32, #tpu.memory_space<vmem>> -> memref<1x128xi32, #tpu.memory_space<vmem>>
        %dma_wait3A_118 = tpu.memref_squeeze %dma_wait3A_117 : memref<1x128xi32, #tpu.memory_space<vmem>> -> memref<128xi32, #tpu.memory_space<vmem>>
        %dma_wait3A_119 = arith.constant 0 : i32
        %dma_wait3A_120 = arith.constant 0 : i32
        %dma_wait3A_121 = tpu.memref_slice %arg3[%dma_wait3A_119, %dma_wait3A_120] : memref<10000x128xf32, #tpu.memory_space<hbm>> -> memref<10000x128xf32, #tpu.memory_space<hbm>>
        tpu.wait_indirect_dma semaphore(%arg17 : memref<!tpu.dma_semaphore, #tpu.memory_space<semaphore_mem>>) src(%dma_wait3A_121 : memref<10000x128xf32, #tpu.memory_space<hbm>>) dst(%arg13 : memref<128x128xf32, #tpu.memory_space<vmem>>)
        %add3A_122 = arith.constant 2 : i32
        %add3A_123 = arith.addi %mul3A_72, %add3A_122 : i32
        %lt3A_124 = arith.cmpi slt, %add3A_123, %max3A_5 : i32
        %convert_element_type3A_125 = arith.extui %lt3A_124 : i1 to i32
        %cond3A_126 = arith.constant 0 : i32
        %cond3A_127 = arith.cmpi ne, %convert_element_type3A_125, %cond3A_126 : i32
        scf.if %cond3A_127 {
          %dma_wait3A_141 = arith.constant 0 : i32
          %dma_wait3A_142 = arith.constant 0 : i32
          %dma_wait3A_143 = tpu.memref_slice %arg6[%dma_wait3A_141, %dma_wait3A_142] : memref<163840x128xi32, #tpu.memory_space<hbm>> -> memref<128x128xi32, #tpu.memory_space<hbm>>
          %dma_wait3A_144 = arith.constant 0 : i32
          %dma_wait3A_145 = arith.constant 0 : i32
          %dma_wait3A_146 = tpu.memref_slice %arg6[%dma_wait3A_144, %dma_wait3A_145] : memref<163840x128xi32, #tpu.memory_space<hbm>> -> memref<128x128xi32, #tpu.memory_space<hbm>>
          tpu.wait_dma2 semaphore(%arg18 : memref<!tpu.dma_semaphore, #tpu.memory_space<semaphore_mem>>) src(%arg10 : memref<128x128xi32, #tpu.memory_space<vmem>>) dst(%dma_wait3A_146 : memref<128x128xi32, #tpu.memory_space<hbm>>)
          %dma_wait3A_147 = arith.constant 0 : i32
          %dma_wait3A_148 = arith.constant 0 : i32
          %dma_wait3A_149 = tpu.memref_slice %arg7[%dma_wait3A_147, %dma_wait3A_148] : memref<163840x128xf32, #tpu.memory_space<hbm>> -> memref<128x128xf32, #tpu.memory_space<hbm>>
          %dma_wait3A_150 = arith.constant 0 : i32
          %dma_wait3A_151 = arith.constant 0 : i32
          %dma_wait3A_152 = tpu.memref_slice %arg7[%dma_wait3A_150, %dma_wait3A_151] : memref<163840x128xf32, #tpu.memory_space<hbm>> -> memref<128x128xf32, #tpu.memory_space<hbm>>
          tpu.wait_dma2 semaphore(%arg20 : memref<!tpu.dma_semaphore, #tpu.memory_space<semaphore_mem>>) src(%arg12 : memref<128x128xf32, #tpu.memory_space<vmem>>) dst(%dma_wait3A_152 : memref<128x128xf32, #tpu.memory_space<hbm>>)
          %add3A_153 = arith.constant 2 : i32
          %add3A_154 = arith.addi %mul3A_72, %add3A_153 : i32
          %dma_start3A_155 = arith.constant 0 : i32
          %dma_start3A_156 = tpu.memref_slice %arg8[%add3A_154, %dma_start3A_155] : memref<40x128xi32, #tpu.memory_space<vmem>> -> memref<1x128xi32, #tpu.memory_space<vmem>>
          %dma_start3A_157 = tpu.memref_squeeze %dma_start3A_156 : memref<1x128xi32, #tpu.memory_space<vmem>> -> memref<128xi32, #tpu.memory_space<vmem>>
          %dma_start3A_158 = arith.constant 0 : i32
          %dma_start3A_159 = arith.constant 0 : i32
          %dma_start3A_160 = tpu.memref_slice %arg2[%dma_start3A_158, %dma_start3A_159] : memref<10000x128xi32, #tpu.memory_space<hbm>> -> memref<10000x128xi32, #tpu.memory_space<hbm>>
          tpu.enqueue_indirect_dma source(%dma_start3A_160 : memref<10000x128xi32, #tpu.memory_space<hbm>>) target(%arg10 : memref<128x128xi32, #tpu.memory_space<vmem>>) offsets(%dma_start3A_157 : memref<128xi32, #tpu.memory_space<vmem>>) semaphore(%arg14 : memref<!tpu.dma_semaphore, #tpu.memory_space<semaphore_mem>>)
          %dma_start3A_161 = arith.constant 0 : i32
          %dma_start3A_162 = tpu.memref_slice %arg9[%add3A_154, %dma_start3A_161] : memref<40x128xi32, #tpu.memory_space<vmem>> -> memref<1x128xi32, #tpu.memory_space<vmem>>
          %dma_start3A_163 = tpu.memref_squeeze %dma_start3A_162 : memref<1x128xi32, #tpu.memory_space<vmem>> -> memref<128xi32, #tpu.memory_space<vmem>>
          %dma_start3A_164 = arith.constant 0 : i32
          %dma_start3A_165 = arith.constant 0 : i32
          %dma_start3A_166 = tpu.memref_slice %arg3[%dma_start3A_164, %dma_start3A_165] : memref<10000x128xf32, #tpu.memory_space<hbm>> -> memref<10000x128xf32, #tpu.memory_space<hbm>>
          tpu.enqueue_indirect_dma source(%dma_start3A_166 : memref<10000x128xf32, #tpu.memory_space<hbm>>) target(%arg12 : memref<128x128xf32, #tpu.memory_space<vmem>>) offsets(%dma_start3A_163 : memref<128xi32, #tpu.memory_space<vmem>>) semaphore(%arg16 : memref<!tpu.dma_semaphore, #tpu.memory_space<semaphore_mem>>)
        } else {
        }
        %add3A_128 = arith.constant 1 : i32
        %add3A_129 = arith.addi %mul3A_72, %add3A_128 : i32
        %add3A_130 = arith.addi %mul3A_2, %add3A_129 : i32
        %mul3A_131 = arith.constant 128 : i32
        %mul3A_132 = arith.muli %add3A_130, %mul3A_131 : i32
        %dma_start3A_133 = arith.constant 0 : i32
        %dma_start3A_134 = tpu.memref_slice %arg6[%mul3A_132, %dma_start3A_133] : memref<163840x128xi32, #tpu.memory_space<hbm>> -> memref<128x128xi32, #tpu.memory_space<hbm>>
        %dma_start3A_135 = arith.constant 0 : i32
        %dma_start3A_136 = tpu.memref_slice %arg6[%mul3A_132, %dma_start3A_135] : memref<163840x128xi32, #tpu.memory_space<hbm>> -> memref<128x128xi32, #tpu.memory_space<hbm>>
        tpu.enqueue_dma source(%arg11 : memref<128x128xi32, #tpu.memory_space<vmem>>) target(%dma_start3A_136 : memref<128x128xi32, #tpu.memory_space<hbm>>) target_semaphore(%arg19 : memref<!tpu.dma_semaphore, #tpu.memory_space<semaphore_mem>>)
        %dma_start3A_137 = arith.constant 0 : i32
        %dma_start3A_138 = tpu.memref_slice %arg7[%mul3A_132, %dma_start3A_137] : memref<163840x128xf32, #tpu.memory_space<hbm>> -> memref<128x128xf32, #tpu.memory_space<hbm>>
        %dma_start3A_139 = arith.constant 0 : i32
        %dma_start3A_140 = tpu.memref_slice %arg7[%mul3A_132, %dma_start3A_139] : memref<163840x128xf32, #tpu.memory_space<hbm>> -> memref<128x128xf32, #tpu.memory_space<hbm>>
        tpu.enqueue_dma source(%arg13 : memref<128x128xf32, #tpu.memory_space<vmem>>) target(%dma_start3A_140 : memref<128x128xf32, #tpu.memory_space<hbm>>) target_semaphore(%arg21 : memref<!tpu.dma_semaphore, #tpu.memory_space<semaphore_mem>>)
      } else {
      }
    }
    %gt3A_60 = arith.constant 0 : i32
    %gt3A_61 = arith.cmpi sgt, %max3A_5, %gt3A_60 : i32
    %convert_element_type3A_62 = arith.extui %gt3A_61 : i1 to i32
    %cond3A_63 = arith.constant 0 : i32
    %cond3A_64 = arith.cmpi ne, %convert_element_type3A_62, %cond3A_63 : i32
    scf.if %cond3A_64 {
      %dma_wait3A = arith.constant 0 : i32
      %dma_wait3A_70 = arith.constant 0 : i32
      %dma_wait3A_71 = tpu.memref_slice %arg6[%dma_wait3A, %dma_wait3A_70] : memref<163840x128xi32, #tpu.memory_space<hbm>> -> memref<128x128xi32, #tpu.memory_space<hbm>>
      %dma_wait3A_72 = arith.constant 0 : i32
      %dma_wait3A_73 = arith.constant 0 : i32
      %dma_wait3A_74 = tpu.memref_slice %arg6[%dma_wait3A_72, %dma_wait3A_73] : memref<163840x128xi32, #tpu.memory_space<hbm>> -> memref<128x128xi32, #tpu.memory_space<hbm>>
      tpu.wait_dma2 semaphore(%arg18 : memref<!tpu.dma_semaphore, #tpu.memory_space<semaphore_mem>>) src(%arg10 : memref<128x128xi32, #tpu.memory_space<vmem>>) dst(%dma_wait3A_74 : memref<128x128xi32, #tpu.memory_space<hbm>>)
      %dma_wait3A_75 = arith.constant 0 : i32
      %dma_wait3A_76 = arith.constant 0 : i32
      %dma_wait3A_77 = tpu.memref_slice %arg7[%dma_wait3A_75, %dma_wait3A_76] : memref<163840x128xf32, #tpu.memory_space<hbm>> -> memref<128x128xf32, #tpu.memory_space<hbm>>
      %dma_wait3A_78 = arith.constant 0 : i32
      %dma_wait3A_79 = arith.constant 0 : i32
      %dma_wait3A_80 = tpu.memref_slice %arg7[%dma_wait3A_78, %dma_wait3A_79] : memref<163840x128xf32, #tpu.memory_space<hbm>> -> memref<128x128xf32, #tpu.memory_space<hbm>>
      tpu.wait_dma2 semaphore(%arg20 : memref<!tpu.dma_semaphore, #tpu.memory_space<semaphore_mem>>) src(%arg12 : memref<128x128xf32, #tpu.memory_space<vmem>>) dst(%dma_wait3A_80 : memref<128x128xf32, #tpu.memory_space<hbm>>)
    } else {
    }
    %gt3A_65 = arith.constant 1 : i32
    %gt3A_66 = arith.cmpi sgt, %max3A_5, %gt3A_65 : i32
    %convert_element_type3A_67 = arith.extui %gt3A_66 : i1 to i32
    %cond3A_68 = arith.constant 0 : i32
    %cond3A_69 = arith.cmpi ne, %convert_element_type3A_67, %cond3A_68 : i32
    scf.if %cond3A_69 {
      %dma_wait3A = arith.constant 0 : i32
      %dma_wait3A_70 = arith.constant 0 : i32
      %dma_wait3A_71 = tpu.memref_slice %arg6[%dma_wait3A, %dma_wait3A_70] : memref<163840x128xi32, #tpu.memory_space<hbm>> -> memref<128x128xi32, #tpu.memory_space<hbm>>
      %dma_wait3A_72 = arith.constant 0 : i32
      %dma_wait3A_73 = arith.constant 0 : i32
      %dma_wait3A_74 = tpu.memref_slice %arg6[%dma_wait3A_72, %dma_wait3A_73] : memref<163840x128xi32, #tpu.memory_space<hbm>> -> memref<128x128xi32, #tpu.memory_space<hbm>>
      tpu.wait_dma2 semaphore(%arg19 : memref<!tpu.dma_semaphore, #tpu.memory_space<semaphore_mem>>) src(%arg11 : memref<128x128xi32, #tpu.memory_space<vmem>>) dst(%dma_wait3A_74 : memref<128x128xi32, #tpu.memory_space<hbm>>)
      %dma_wait3A_75 = arith.constant 0 : i32
      %dma_wait3A_76 = arith.constant 0 : i32
      %dma_wait3A_77 = tpu.memref_slice %arg7[%dma_wait3A_75, %dma_wait3A_76] : memref<163840x128xf32, #tpu.memory_space<hbm>> -> memref<128x128xf32, #tpu.memory_space<hbm>>
      %dma_wait3A_78 = arith.constant 0 : i32
      %dma_wait3A_79 = arith.constant 0 : i32
      %dma_wait3A_80 = tpu.memref_slice %arg7[%dma_wait3A_78, %dma_wait3A_79] : memref<163840x128xf32, #tpu.memory_space<hbm>> -> memref<128x128xf32, #tpu.memory_space<hbm>>
      tpu.wait_dma2 semaphore(%arg21 : memref<!tpu.dma_semaphore, #tpu.memory_space<semaphore_mem>>) src(%arg13 : memref<128x128xf32, #tpu.memory_space<vmem>>) dst(%dma_wait3A_80 : memref<128x128xf32, #tpu.memory_space<hbm>>)
    } else {
    }
    return
  }
}

</mosaic_0001>

<sc_bundles>
// kernel: call.3.cloned.1.call-start
scs
__scs_entry_jumppad:
0x0: {  	(pc) =	sbr.rel $0x88, $3  }
0x1: {  	(tag) =	ssettag $0x0;
	lr =	simm.s32 $0x1  }
0x2: {  	[smem:$0x3F9D] =	sst lr;
	_ =	strace $0xD0000000  }
0x3: {  	_ = 	snop  }
0x4: {  	_ = 	snop  }
0x5: {  	_ = 	snop  }
0x6: {  	_ = 	snop  }
0x7: {  	_ = 	snop  }
__scs_overlays_trampoline_lowered:
0x8: {  	[smem:$0x3FAC] =	sst s0  }
0x9: {  	[smem:$0x3FAD] =	sst s1  }
0xa: {  	[smem:$0x3FAE] =	sst s2  }
0xb: {  	[smem:$0x3FAF] =	sst s3  }
0xc: {  	[smem:$0x3FB0] =	sst s4  }
0xd: {  	[smem:$0x3FB1] =	sst s5  }
0xe: {  	[smem:$0x3FB2] =	sst s6  }
0xf: {  	[smem:$0x3FB3] =	sst s7  }
0x10: {  	[smem:$0x3FB4] =	sst s8  }
0x11: {  	[smem:$0x3FB5] =	sst s9;
	s0 =	simm.s32 @!p0 $0x0  }
0x12: {  	s1 =	sld [smem:$0x3F9B];
	s0 =	simm.s32 @p0 $0x1  }
0x13: {  	[smem:$0x3FB6] =	sst s0;
	s0 =	simm.s32 @!p1 $0x0  }
0x14: {  	s2 =	sld [smem:$0x3F9A];
	s0 =	simm.s32 @p1 $0x1  }
0x15: {  	[smem:$0x3FB7] =	sst s0;
	s0 =	simm.s32 @!p2 $0x0  }
0x16: {  	s3 =	sld [smem:$0x3FDB];
	s0 =	simm.s32 @p2 $0x1  }
0x17: {  	s4 =	simm.s32 $0x1BF5;
	[smem:$0x3FB9] =	sst s0  }
0x18: {  	s0 =	sld [smem:$0x3F9C];
	_ =	swait.ge [sflag:s4], $0x0  }
0x19: {  	s7 =	sld [smem:$0x3F9D]  }
0x1a: {  	s8 =	sadd.s32 $0xFFFFE003, lr  }
0x1b: {  	s9 =	sadd.s32 $0xFFFFFEF7, lr;
	s5 =	simm.s32 $0xFFFFFFFF;
	p2 =	slt.u32 s8, $0xFFFFF086  }
0x1c: {  	p1 =	slt.u32 s9, $0xF7A;
	s5 =	simm.s32 @!p2 $0x0  }
0x1d: {  	s5 =	simm.s32 @p1 $0x1;
	p0 =	seq.s32 s7, s2  }
0x1e: {  	s7 =	smul.u32 @!p0 $0xF7A, s2;
	p2 =	seq.s32 @!p0 s5, $0x0  }
0x1f: {  	s9 =	smul.u32 $0xF7A, s1;
	s8 =	simm.s32 @!p0 $0x1BF5;
	p2 =	por !p2, p0  }
0x20: {  	[sflag:s8] =	ssyncset.s32 @!p0 $0xFFFFF086;
	s6 =	sadd.s32 @!p0 s3, s7;
	s7 =	simm.s32 @!p0 $0x108  }
0x21: {  	s3 =	sadd.s32 s3, s9;
	s6 =	sadd.s32 @!p0 $0x88, s6;
	s7 =	simm.s32 @p2 $0x1082  }
0x22: {  	[simem:s7], [sflag:s8] =	dma.local @!p0 [hbm:s6], $0xF7A  }
0x23: {  	s9 =	sor.u32 $0xD0000000, s2;
	s6 =	simm.s32 $0x108;
	_ =	swait.ge @!p0 [sflag:s8], $0x0  }
0x24: {  	s3 =	sadd.s32 $0x88, s3;
	s6 =	simm.s32 @!p1 $0x1082;
	[sflag:s4] =	ssyncset.s32 $0xFFFFF086  }
0x25: {  	[simem:s6], [sflag:s4] =	dma.local [hbm:s3], $0xF7A  }
0x26: {  	[smem:$0x3F9D] =	sst s1;
	(tag) =	ssettag s2;
	_ =	strace s9  }
0x27: {  	s1 =	sld [smem:$0x3FAD]  }
0x28: {  	s2 =	sld [smem:$0x3FAE]  }
0x29: {  	s4 =	sld [smem:$0x3FB0]  }
0x2a: {  	p0 =	seq.s32 s5, $0x0;
	s5 =	sld [smem:$0x3FB1]  }
0x2b: {  	s6 =	sld [smem:$0x3FB2]  }
0x2c: {  	s7 =	sld [smem:$0x3FB3]  }
0x2d: {  	s3 =	simm.s32 $0x108;
	s8 =	sld [smem:$0x3FB4]  }
0x2e: {  	s3 =	simm.s32 @!p0 $0x1082;
	s9 =	sld [smem:$0x3FB5]  }
0x2f: {  	lr =	sadd.s32 s0, s3;
	s0 =	sld [smem:$0x3FAC]  }
0x30: {  	s3 =	sld [smem:$0x3FAF]  }
0x31: {  	[smem:$0x3FB8] =	sst s10  }
0x32: {  	s10 =	sld [smem:$0x3FB6];
	_ =	sdelay $0x3  }
0x33: {  	p0 =	seq.s32 s10, $0x1;
	s10 =	sld [smem:$0x3FB8];
	_ =	sdelay $0x3  }
0x34: {  	[smem:$0x3FB8] =	sst s10  }
0x35: {  	s10 =	sld [smem:$0x3FB7];
	_ =	sdelay $0x3  }
0x36: {  	p1 =	seq.s32 s10, $0x1;
	s10 =	sld [smem:$0x3FB8];
	_ =	sdelay $0x3  }
0x37: {  	[smem:$0x3FB8] =	sst s10  }
0x38: {  	s10 =	sld [smem:$0x3FB9]  }
0x39: {  	_ = 	snop;
	(pc) =	sbr.ind lr, $3  }
0x3a: {  	_ = 	snop  }
0x3b: {  	_ = 	snop  }
0x3c: {  	p2 =	seq.s32 s10, $0x1;
	s10 =	sld [smem:$0x3FB8]  }
0x3d: {  	_ =	shalt  }
0x3e: {  	_ =	shalt  }
0x3f: {  	_ =	shalt  }
0x40: {  	_ =	shalt  }
0x41: {  	_ =	shalt  }
0x42: {  	_ =	shalt  }
0x43: {  	_ =	shalt  }
0x44: {  	_ =	shalt  }
0x45: {  	_ =	shalt  }
0x46: {  	_ =	shalt  }
0x47: {  	_ =	shalt  }
0x48: {  	_ =	shalt  }
0x49: {  	_ =	shalt  }
0x4a: {  	_ =	shalt  }
0x4b: {  	_ =	shalt  }
0x4c: {  	_ =	shalt  }
0x4d: {  	_ =	shalt  }
0x4e: {  	_ =	shalt  }
0x4f: {  	_ =	shalt  }
0x50: {  	_ =	shalt  }
0x51: {  	_ =	shalt  }
0x52: {  	_ =	shalt  }
0x53: {  	_ =	shalt  }
0x54: {  	_ =	shalt  }
0x55: {  	_ =	shalt  }
0x56: {  	_ =	shalt  }
0x57: {  	_ =	shalt  }
0x58: {  	_ =	shalt  }
0x59: {  	_ =	shalt  }
0x5a: {  	_ =	shalt  }
0x5b: {  	_ =	shalt  }
0x5c: {  	_ =	shalt  }
0x5d: {  	_ =	shalt  }
0x5e: {  	_ =	shalt  }
0x5f: {  	_ =	shalt  }
0x60: {  	_ =	shalt  }
0x61: {  	_ =	shalt  }
0x62: {  	_ =	shalt  }
0x63: {  	_ =	shalt  }
0x64: {  	_ =	shalt  }
0x65: {  	_ =	shalt  }
0x66: {  	_ =	shalt  }
0x67: {  	_ =	shalt  }
0x68: {  	_ =	shalt  }
0x69: {  	_ =	shalt  }
0x6a: {  	_ =	shalt  }
0x6b: {  	_ =	shalt  }
0x6c: {  	_ =	shalt  }
0x6d: {  	_ =	shalt  }
0x6e: {  	_ =	shalt  }
0x6f: {  	_ =	shalt  }
0x70: {  	_ =	shalt  }
0x71: {  	_ =	shalt  }
0x72: {  	_ =	shalt  }
0x73: {  	_ =	shalt  }
0x74: {  	_ =	shalt  }
0x75: {  	_ =	shalt  }
0x76: {  	_ =	shalt  }
0x77: {  	_ =	shalt  }
0x78: {  	_ =	shalt  }
0x79: {  	_ =	shalt  }
0x7a: {  	_ =	shalt  }
0x7b: {  	_ =	shalt  }
0x7c: {  	_ =	shalt  }
0x7d: {  	_ =	shalt  }
0x7e: {  	_ =	shalt  }
0x7f: {  	_ =	shalt  }
0x80: {  	_ =	shalt  }
0x81: {  	_ =	shalt  }
0x82: {  	_ =	shalt  }
0x83: {  	_ =	shalt  }
0x84: {  	_ =	shalt  }
0x85: {  	_ =	shalt  }
0x86: {  	_ =	shalt  }
0x87: {  	_ =	shalt  }
.Lfunc_end0:
.L_simem_size_0:
called_computation_lowered:
.L_overlay_start_0:
0x88: {  	s2 =	sld [smem:$0x3FD9]  }
0x89: {  	s3 =	sld [smem:$0x3FFE];
	_ =	sdelay $0x1  }
0x8a: {  	s1 =	srdreg.scid  }
0x8b: {  	s0 =	sand.u32 $0x1, s1  }
0x8c: {  	s15 =	sshll.u32 s0, $0xA;
	s2 =	sadd.s32 s3, s2  }
0x8d: {  	s2 =	sadd.s32 s2, s15  }
0x8e: {  	[smem:$0x3FC4] =	sst s2  }
0x8f: {  	_ = 	snop  }
0x90: {  	s2 =	sld [smem:$0x3FC9]  }
0x91: {  	s16 =	sld [smem:$0x3FD0]  }
0x92: {  	s4 =	sld [smem:$0x3FC8]  }
0x93: {  	s5 =	sld [smem:$0x3FC7]  }
0x94: {  	s7 =	simm.s32 $0xA;
	s8 =	simm.s32 $0x10;
	s6 =	sld [smem:$0x3FC6]  }
0x95: {  	[smem:s8], [sflag:s7] =	dma.local [hbm:s16], $0x1  }
0x96: {  	_ =	swait.eq [sflag:s7], $0x1  }
0x97: {  	[sflag:s7] =	ssyncset.done $0x0  }
0x98: {  	s17 =	sld [smem:$0x10];
	[sflag:s7] =	ssyncadd.s32 $0xFFFFFFFF  }
0x99: {  	s18 =	sld [smem:$0x11];
	(tm) =	ssettm $0x1  }
0x9a: {  	s19 =	sld [smem:$0x3FFB];
	_ =	sdelay $0x3  }
0x9b: {  	_ =	strace s19  }
0x9c: {  	s8 =	sld [smem:$0x3FFC];
	_ =	sdelay $0x3  }
0x9d: {  	_ =	strace s8  }
0x9e: {  	s8 =	sld [smem:$0x3FFD];
	_ =	sdelay $0x3  }
0x9f: {  	_ =	strace s8  }
0xa0: {  	_ =	strace $0x8FFFFFFF  }
0xa1: {  	s20 =	sld [smem:$0x3FDB];
	_ =	sdelay $0x1  }
0xa2: {  	s9 =	simm.s32 $_scs_section_size  }
0xa3: {  	s10 =	simm.s32 $_size__tile_overlayer_lowered;
	s11 =	simm.s32 $_tile_overlayer_lowered  }
0xa4: {  	s23 =	simm.s32 $0x1BFF;
	s22 =	sshll.u32 s11, $0x1;
	s8 =	sadd.s32 s9, s20  }
0xa5: {  	s12 =	simm.s32 $0x0;
	s21 =	sshll.u32 s10, $0x1;
	s10 =	sadd.s32 s22, s8  }
0xa6: {  	[timem:s12], [sflag:s23] =	dma.local [hbm:s10], s21  }
0xa7: {  	_ =	swait.ge [sflag:s23], s21  }
0xa8: {  	s9 =	ssub.s32 $0x0, s21;
	[sflag:s23] =	ssyncset.done $0x0  }
0xa9: {  	[sflag:s23] =	ssyncadd.s32 s9;
	_ =	sdelay $0x1  }
0xaa: {  	s24 =	simm.s32 $0x1B8B  }
0xab: {  	_ =	swait.ge [sflag:s24], $0x1  }
0xac: {  	[sflag:s24] =	ssyncset.done $0x0  }
0xad: {  	s25 =	simm.s32 $0x1B8E;
	[sflag:s24] =	ssyncadd.s32 $0xFFFFFFFF  }
0xae: {  	s26 =	simm.s32 $execute0_lowered;
	[smem:$0x3FD2] =	sst s25  }
0xaf: {  	s9 =	sshll.u32 s26, $0x1;
	_ =	strace $0x80000046;
	[dreg:$0x1] =	wrdreg $0xFFFFFFFF  }
0xb0: {  	s28 =	simm.s32 $_size_execute0_lowered;
	s8 =	sadd.s32 s8, s9;
	[dreg:$0x0] =	wrdreg $0x0  }
0xb1: {  	s9 =	sshll.u32 s28, $0x1;
	[dreg:$0x2] =	wrdreg s8  }
0xb2: {  	[dreg:$0x3] =	wrdreg s9  }
0xb3: {  	[dreg:$0x4] =	wrdreg $0xC0  }
0xb4: {  	_ =	task [dreg:s12], $0x5FFFF  }
0xb5: {  	[dreg:$0x1] =	wrdreg $0xFFFFFFFF  }
0xb6: {  	[dreg:$0x0] =	wrdreg $0x60  }
0xb7: {  	[dreg:$0x2] =	wrdreg s2  }
0xb8: {  	[dreg:$0x3] =	wrdreg s4  }
0xb9: {  	[dreg:$0x4] =	wrdreg s5  }
0xba: {  	[dreg:$0x5] =	wrdreg s6  }
0xbb: {  	[dreg:$0x6] =	wrdreg s17  }
0xbc: {  	[dreg:$0x7] =	wrdreg s18  }
0xbd: {  	[dreg:$0x8] =	wrdreg $0x9  }
0xbe: {  	_ =	task.clear_ibuf [dreg:s12], $0x9FFFF;
	_ =	strace $0x90000046  }
0xbf: {  	s29 =	simm.s32 $0x9;
	_ =	strace $0x80000048  }
0xc0: {  	_ =	swait.ge [sflag:s29], $0x1  }
0xc1: {  	[sflag:s29] =	ssyncadd.s32 $0xFFFFFFFF  }
0xc2: {  	_ =	strace $0x90000048  }
0xc3: {  	_ =	sfence  }
0xc4: {  	s30 =	sld [smem:$0x0];
	_ =	sdelay $0x2  }
0xc5: {  	s31 =	sshll.u32 s1, $0xD;
	s1 =	sshrl.u32 s1, $0x2  }
0xc6: {  	s3 =	sand.u32 $0x4000, s31;
	s1 =	sadd.s32 s1, s30  }
0xc7: {  	s0 =	sor.u32 s3, s0;
	s1 =	sshll.u32 s1, $0x11  }
0xc8: {  	s0 =	sor.u32 s1, s0  }
0xc9: {  	s0 =	sadd.s32 $0x8F2B, s0  }
0xca: {  	[sflag:s0] =	ssyncadd.remote.s32 $0x1  }
0xcb: {  	_ =	sfence.sel $0xFFFF  }
0xcc: {  	[dreg:$0x0] =	wrdreg $0xFFFFFFFF;
	(pc) =	sbr.abs _section_cstart, $3  }
0xcd: {  	[dreg:$0x1] =	wrdreg $0xFFFFFFFF  }
0xce: {  	_ =	task.clear_ibuf [dreg:s12], $0x2FFFF;
	_ =	strace $0x9FFFFFFF  }
0xcf: {  	(tm) =	ssettm $0x7FFFFFFF  }
tec
execute0_lowered:
.L_overlay_start_1:
0x0: {  	(tag) =	ssettag $0x1  }
0x1: {  	s0 =	rddreg [dreg:$0x0]  }
0x2: {  	s1 =	rddreg [dreg:$0x1]  }
0x3: {  	s2 =	rddreg [dreg:$0x2]  }
0x4: {  	s3 =	rddreg [dreg:$0x3]  }
0x5: {  	s4 =	rddreg [dreg:$0x4];
	s6 =	srdreg.scid  }
0x6: {  	s12 =	stileid.u32;
	s5 =	rddreg [dreg:$0x5];
	s28 =	simm.s32 $0x6800  }
0x7: {  	s30 =	simm.s32 $0xE800;
	s31 =	simm.s32 $0x2;
	s17 =	smul.u32 $0x50, s12  }
0x8: {  	s29 =	simm.s32 $0x7;
	s7 =	sand.u32 $0x1, s6;
	s23 =	smul.u32 $0x28000, s12  }
0x9: {  	s8 =	sshll.u32 s12, $0x1;
	s6 =	simm.s32 $0x0;
	s20 =	smul.u32 $0x28, s7  }
0xa: {  	s8 =	sor.u32 s7, s8;
	[smem:$0x7FF] =	sst s6;
	s25 =	smul.u32 $0x14000, s7  }
0xb: {  	s9 =	ssub.s32 $0x2, s7;
	s7 =	simm.s32 $0x6;
	s10 =	smul.u32 $0x280, s8  }
0xc: {  	_ =	strace $0x80000047;
	s11 =	sshrl.u32 s9, $0x1;
	s8 =	smul.u32 $0x14000, s8  }
0xd: {  	s9 =	ssub.s32 s9, s11;
	s2 =	sadd.s32 s2, s10;
	s14 =	sadd.s32 s3, s10  }
0xe: {  	s15 =	smax.u32 s9, $0x1;
	s16 =	sadd.s32 s4, s8;
	[dreg:$0x7] =	wrdreg s2  }
0xf: {  	s18 =	sadd.s32 s5, s8;
	s19 =	sor.u32 $0x800, s8;
	[dreg:$0x8] =	wrdreg s14  }
0x10: {  	s22 =	sadd.s32 $0x13000, s8;
	s26 =	sadd.s32 $0x13800, s8;
	[dreg:$0x9] =	wrdreg s15  }
0x11: {  	s8 =	simm.s32 $0x8;
	s9 =	simm.s32 $0x0;
	[dreg:$0xa] =	wrdreg s16  }
0x12: {  	[dreg:$0xb] =	wrdreg s18;
	s21 =	sadd.s32 s4, s19;
	s3 =	sadd.s32 s5, s19  }
0x13: {  	s24 =	sadd.s32 s4, s22;
	s15 =	sadd.s32 s5, s22;
	s2 =	sadd.s32 s20, s17  }
0x14: {  	s16 =	sadd.s32 s4, s26;
	s17 =	sadd.s32 s5, s26;
	[dreg:$0xc] =	wrdreg s21  }
0x15: {  	s20 =	simm.s32 $0x9;
	s22 =	simm.s32 $0x80;
	[dreg:$0xd] =	wrdreg s3  }
0x16: {  	s26 =	simm.s32 $0x3;
	[dreg:$0xe] =	wrdreg s24;
	s2 =	sshll.u32 s2, $0xB  }
0x17: {  	s3 =	sadd.s32 s25, s23;
	s21 =	simm.s32 $0x1400;
	s23 =	simm.s32 $0x2800  }
0x18: {  	s24 =	simm.s32 $0xA800;
	s25 =	simm.s32 $0x1;
	s18 =	sor.u32 $0x1800, s2  }
0x19: {  	s19 =	sor.u32 $0x1000, s3;
	s3 =	simm.s32 $0x4;
	s2 =	simm.s32 $0x5  }
.LBB2_1:
0x1a: {  	s10 =	rddreg [dreg:$0x7]  }
0x1b: {  	[tilespmem:s6], [sflag:$0x9] =	stream.linear.gather [hbm4b:s10+s6], $0x1400, $0x38;
	[tilespmem:$0x12800] =	vst v63  }
0x1c: {  	_ =	swait.ge [sflag:s20], $0x1400  }
0x1d: {  	[sflag:s20] =	ssyncset.done $0x0  }
0x1e: {  	s12 =	rddreg [dreg:$0x8];
	[sflag:s20] =	ssyncadd.s32 $0xFFFFEC00  }
0x1f: {  	[tilespmem:s21], [sflag:$0x9] =	stream.linear.gather [hbm4b:s12+s6], $0x1400, $0x38;
	[tilespmem:$0x12800] =	vst v63  }
0x20: {  	_ =	swait.ge [sflag:s20], $0x1400  }
0x21: {  	[sflag:s20] =	ssyncset.done $0x0  }
0x22: {  	[sflag:s20] =	ssyncadd.s32 $0xFFFFEC00  }
0x23: {  	[tilespmem:s23], [sflag:$0x1] =	stream.indirect.gather [hbm4b:s0+s22], $0x80, s6, s22, $0xb8;
	[tilespmem:$0x12800] =	vst v63  }
0x24: {  	_ = 	snop  }
0x25: {  	[tilespmem:s24], [sflag:$0x3] =	stream.indirect.gather [hbm4b:s1+s22], $0x80, s21, s22, $0xb8;
	[tilespmem:$0x12800] =	vst v63  }
0x26: {  	_ =	swait.ge [sflag:s25], $0x4000  }
0x27: {  	[sflag:s25] =	ssyncset.done $0x0  }
0x28: {  	[sflag:s25] =	ssyncadd.s32 $0xFFFFC000  }
0x29: {  	_ =	swait.ge [sflag:s26], $0x4000  }
0x2a: {  	[sflag:s26] =	ssyncset.done $0x0  }
0x2b: {  	[sflag:s26] =	ssyncadd.s32 $0xFFFFC000  }
0x2c: {  	[tilespmem:s28], [sflag:$0x2] =	stream.indirect.gather [hbm4b:s0+s22], $0x80, s22, s22, $0xb8;
	[tilespmem:$0x12800] =	vst v63  }
0x2d: {  	s13 =	simm.s32 $0x1480  }
0x2e: {  	[tilespmem:s30], [sflag:$0x4] =	stream.indirect.gather [hbm4b:s1+s22], $0x80, s13, s22, $0xb8;
	[tilespmem:$0x12800] =	vst v63  }
0x2f: {  	s14 =	rddreg [dreg:$0xa]  }
0x30: {  	[hbm4b:s14+s6] =	stream.linear.scatter [tilespmem:s23], [sflag:$0x5], $0x4000, $0x38;
	[tilespmem:$0x12800] =	vst v63  }
0x31: {  	s11 =	rddreg [dreg:$0xb]  }
0x32: {  	[hbm4b:s11+s6] =	stream.linear.scatter [tilespmem:s24], [sflag:$0x7], $0x4000, $0x38;
	[tilespmem:$0x12800] =	vst v63  }
0x33: {  	_ =	swait.ge [sflag:s31], $0x4000  }
0x34: {  	[sflag:s31] =	ssyncset.done $0x0  }
0x35: {  	[sflag:s31] =	ssyncadd.s32 $0xFFFFC000  }
0x36: {  	_ =	swait.ge [sflag:s3], $0x4000  }
0x37: {  	[sflag:s3] =	ssyncset.done $0x0  }
0x38: {  	[sflag:s3] =	ssyncadd.s32 $0xFFFFC000  }
0x39: {  	_ =	swait.ge [sflag:s2], $0x4000  }
0x3a: {  	[sflag:s2] =	ssyncset.done $0x0  }
0x3b: {  	[sflag:s2] =	ssyncadd.s32 $0xFFFFC000  }
0x3c: {  	_ =	swait.ge [sflag:s29], $0x4000  }
0x3d: {  	[sflag:s29] =	ssyncset.done $0x0  }
0x3e: {  	s12 =	simm.s32 $0x100;
	[sflag:s29] =	ssyncadd.s32 $0xFFFFC000  }
0x3f: {  	[tilespmem:s23], [sflag:$0x1] =	stream.indirect.gather [hbm4b:s0+s22], $0x80, s12, s22, $0xb8;
	[tilespmem:$0x12800] =	vst v63  }
0x40: {  	s13 =	simm.s32 $0x1500  }
0x41: {  	[tilespmem:s24], [sflag:$0x3] =	stream.indirect.gather [hbm4b:s1+s22], $0x80, s13, s22, $0xb8;
	[tilespmem:$0x12800] =	vst v63  }
0x42: {  	s14 =	rddreg [dreg:$0xc]  }
0x43: {  	[hbm4b:s14+s6] =	stream.linear.scatter [tilespmem:s28], [sflag:$0x6], $0x4000, $0x38;
	[tilespmem:$0x12800] =	vst v63  }
0x44: {  	s11 =	rddreg [dreg:$0xd]  }
0x45: {  	[hbm4b:s11+s6] =	stream.linear.scatter [tilespmem:s30], [sflag:$0x8], $0x4000, $0x38;
	[tilespmem:$0x12800] =	vst v63  }
0x46: {  	_ =	swait.ge [sflag:s25], $0x4000  }
0x47: {  	[sflag:s25] =	ssyncset.done $0x0  }
0x48: {  	[sflag:s25] =	ssyncadd.s32 $0xFFFFC000  }
0x49: {  	_ =	swait.ge [sflag:s26], $0x4000  }
0x4a: {  	[sflag:s26] =	ssyncset.done $0x0  }
0x4b: {  	[sflag:s26] =	ssyncadd.s32 $0xFFFFC000  }
0x4c: {  	_ =	swait.ge [sflag:s7], $0x4000  }
0x4d: {  	[sflag:s7] =	ssyncset.done $0x0  }
0x4e: {  	[sflag:s7] =	ssyncadd.s32 $0xFFFFC000  }
0x4f: {  	_ =	swait.ge [sflag:s8], $0x4000  }
0x50: {  	[sflag:s8] =	ssyncset.done $0x0  }
0x51: {  	s12 =	simm.s32 $0x180;
	[sflag:s8] =	ssyncadd.s32 $0xFFFFC000  }
0x52: {  	[tilespmem:s28], [sflag:$0x2] =	stream.indirect.gather [hbm4b:s0+s22], $0x80, s12, s22, $0xb8;
	[tilespmem:$0x12800] =	vst v63  }
0x53: {  	s13 =	simm.s32 $0x1580  }
0x54: {  	[tilespmem:s30], [sflag:$0x4] =	stream.indirect.gather [hbm4b:s1+s22], $0x80, s13, s22, $0xb8;
	[tilespmem:$0x12800] =	vst v63  }
0x55: {  	s14 =	sadd.s32 s19, s4  }
0x56: {  	[hbm4b:s14+s6] =	stream.linear.scatter [tilespmem:s23], [sflag:$0x5], $0x4000, $0x38;
	[tilespmem:$0x12800] =	vst v63  }
0x57: {  	s11 =	sadd.s32 s19, s5  }
0x58: {  	[hbm4b:s11+s6] =	stream.linear.scatter [tilespmem:s24], [sflag:$0x7], $0x4000, $0x38;
	[tilespmem:$0x12800] =	vst v63  }
0x59: {  	_ =	swait.ge [sflag:s31], $0x4000  }
0x5a: {  	[sflag:s31] =	ssyncset.done $0x0  }
0x5b: {  	[sflag:s31] =	ssyncadd.s32 $0xFFFFC000  }
0x5c: {  	_ =	swait.ge [sflag:s3], $0x4000  }
0x5d: {  	[sflag:s3] =	ssyncset.done $0x0  }
0x5e: {  	[sflag:s3] =	ssyncadd.s32 $0xFFFFC000  }
0x5f: {  	_ =	swait.ge [sflag:s2], $0x4000  }
0x60: {  	[sflag:s2] =	ssyncset.done $0x0  }
0x61: {  	[sflag:s2] =	ssyncadd.s32 $0xFFFFC000  }
0x62: {  	_ =	swait.ge [sflag:s29], $0x4000  }
0x63: {  	[sflag:s29] =	ssyncset.done $0x0  }
0x64: {  	s12 =	simm.s32 $0x200;
	[sflag:s29] =	ssyncadd.s32 $0xFFFFC000  }
0x65: {  	[tilespmem:s23], [sflag:$0x1] =	stream.indirect.gather [hbm4b:s0+s22], $0x80, s12, s22, $0xb8;
	[tilespmem:$0x12800] =	vst v63  }
0x66: {  	s10 =	simm.s32 $0x400;
	s13 =	simm.s32 $0x1600;
	s14 =	sadd.s32 s18, s4  }
0x67: {  	[tilespmem:s24], [sflag:$0x3] =	stream.indirect.gather [hbm4b:s1+s22], $0x80, s13, s22, $0xb8;
	[tilespmem:$0x12800] =	vst v63  }
0x68: {  	s11 =	sadd.s32 $0x1000, s18;
	s12 =	sadd.s32 $0x1000, s19;
	s13 =	sadd.s32 s18, s5  }
0x69: {  	[hbm4b:s14+s6] =	stream.linear.scatter [tilespmem:s28], [sflag:$0x6], $0x4000, $0x38;
	[tilespmem:$0x12800] =	vst v63  }
.LBB2_2:
0x6a: {  	[hbm4b:s13+s6] =	stream.linear.scatter [tilespmem:s30], [sflag:$0x8], $0x4000, $0x38;
	[tilespmem:$0x12800] =	vst v63  }
0x6b: {  	s13 =	smov.u32 s10  }
0x6c: {  	p0 =	sne.s32 s10, $0x4400;
	s10 =	sadd.s32 $0x400, s10;
	_ =	swait.ge [sflag:s25], $0x4000  }
0x6d: {  	[sflag:s25] =	ssyncset.done $0x0  }
0x6e: {  	[sflag:s25] =	ssyncadd.s32 $0xFFFFC000  }
0x6f: {  	_ =	swait.ge [sflag:s26], $0x4000  }
0x70: {  	[sflag:s26] =	ssyncset.done $0x0  }
0x71: {  	[sflag:s26] =	ssyncadd.s32 $0xFFFFC000  }
0x72: {  	_ =	swait.ge [sflag:s7], $0x4000  }
0x73: {  	[sflag:s7] =	ssyncset.done $0x0  }
0x74: {  	[sflag:s7] =	ssyncadd.s32 $0xFFFFC000  }
0x75: {  	_ =	swait.ge [sflag:s8], $0x4000  }
0x76: {  	s13 =	sshra.s32 s13, $0x2;
	[sflag:s8] =	ssyncset.done $0x0  }
0x77: {  	s14 =	sadd.s32 $0x180, s13;
	[sflag:s8] =	ssyncadd.s32 $0xFFFFC000  }
0x78: {  	[tilespmem:s28], [sflag:$0x2] =	stream.indirect.gather [hbm4b:s0+s22], $0x80, s14, s22, $0xb8;
	[tilespmem:$0x12800] =	vst v63  }
0x79: {  	s14 =	sadd.s32 $0x1580, s13  }
0x7a: {  	[tilespmem:s30], [sflag:$0x4] =	stream.indirect.gather [hbm4b:s1+s22], $0x80, s14, s22, $0xb8;
	[tilespmem:$0x12800] =	vst v63  }
0x7b: {  	s14 =	sadd.s32 s12, s4  }
0x7c: {  	[hbm4b:s14+s6] =	stream.linear.scatter [tilespmem:s23], [sflag:$0x5], $0x4000, $0x38;
	[tilespmem:$0x12800] =	vst v63  }
0x7d: {  	s14 =	sadd.s32 s12, s5  }
0x7e: {  	[hbm4b:s14+s6] =	stream.linear.scatter [tilespmem:s24], [sflag:$0x7], $0x4000, $0x38;
	[tilespmem:$0x12800] =	vst v63  }
0x7f: {  	_ =	swait.ge [sflag:s31], $0x4000  }
0x80: {  	[sflag:s31] =	ssyncset.done $0x0  }
0x81: {  	[sflag:s31] =	ssyncadd.s32 $0xFFFFC000  }
0x82: {  	_ =	swait.ge [sflag:s3], $0x4000  }
0x83: {  	[sflag:s3] =	ssyncset.done $0x0  }
0x84: {  	[sflag:s3] =	ssyncadd.s32 $0xFFFFC000  }
0x85: {  	_ =	swait.ge [sflag:s2], $0x4000  }
0x86: {  	[sflag:s2] =	ssyncset.done $0x0  }
0x87: {  	[sflag:s2] =	ssyncadd.s32 $0xFFFFC000  }
0x88: {  	_ =	swait.ge [sflag:s29], $0x4000  }
0x89: {  	[sflag:s29] =	ssyncset.done $0x0  }
0x8a: {  	s14 =	sadd.s32 $0x200, s13;
	[sflag:s29] =	ssyncadd.s32 $0xFFFFC000  }
0x8b: {  	[tilespmem:s23], [sflag:$0x1] =	stream.indirect.gather [hbm4b:s0+s22], $0x80, s14, s22, $0xb8;
	[tilespmem:$0x12800] =	vst v63  }
.Ltmp0:
0x8c: {  	s13 =	sadd.s32 $0x1600, s13;
	(pc) =	sbr.rel @p0 .LBB2_2-.Ltmp0, $4  }
0x8d: {  	[tilespmem:s24], [sflag:$0x3] =	stream.indirect.gather [hbm4b:s1+s22], $0x80, s13, s22, $0xb8;
	[tilespmem:$0x12800] =	vst v63  }
0x8e: {  	s13 =	sadd.s32 s11, s4  }
0x8f: {  	[hbm4b:s13+s6] =	stream.linear.scatter [tilespmem:s28], [sflag:$0x6], $0x4000, $0x38;
	[tilespmem:$0x12800] =	vst v63  }
0x90: {  	s12 =	sadd.s32 $0x1000, s12;
	s13 =	sadd.s32 s11, s5;
	s11 =	sadd.s32 $0x1000, s11  }
0x91: {  	[hbm4b:s13+s6] =	stream.linear.scatter [tilespmem:s30], [sflag:$0x8], $0x4000, $0x38;
	[tilespmem:$0x12800] =	vst v63  }
0x92: {  	_ =	swait.ge [sflag:s25], $0x4000  }
0x93: {  	[sflag:s25] =	ssyncset.done $0x0  }
0x94: {  	[sflag:s25] =	ssyncadd.s32 $0xFFFFC000  }
0x95: {  	_ =	swait.ge [sflag:s26], $0x4000  }
0x96: {  	[sflag:s26] =	ssyncset.done $0x0  }
0x97: {  	[sflag:s26] =	ssyncadd.s32 $0xFFFFC000  }
0x98: {  	_ =	swait.ge [sflag:s7], $0x4000  }
0x99: {  	[sflag:s7] =	ssyncset.done $0x0  }
0x9a: {  	[sflag:s7] =	ssyncadd.s32 $0xFFFFC000  }
0x9b: {  	_ =	swait.ge [sflag:s8], $0x4000  }
0x9c: {  	[sflag:s8] =	ssyncset.done $0x0  }
0x9d: {  	s10 =	simm.s32 $0x1380;
	[sflag:s8] =	ssyncadd.s32 $0xFFFFC000  }
0x9e: {  	[tilespmem:s28], [sflag:$0x2] =	stream.indirect.gather [hbm4b:s0+s22], $0x80, s10, s22, $0xb8;
	[tilespmem:$0x12800] =	vst v63  }
0x9f: {  	s12 =	simm.s32 $0x2780  }
0xa0: {  	[tilespmem:s30], [sflag:$0x4] =	stream.indirect.gather [hbm4b:s1+s22], $0x80, s12, s22, $0xb8;
	[tilespmem:$0x12800] =	vst v63  }
0xa1: {  	s13 =	rddreg [dreg:$0xe]  }
0xa2: {  	[hbm4b:s13+s6] =	stream.linear.scatter [tilespmem:s23], [sflag:$0x5], $0x4000, $0x38;
	[tilespmem:$0x12800] =	vst v63  }
0xa3: {  	_ = 	snop  }
0xa4: {  	[hbm4b:s15+s6] =	stream.linear.scatter [tilespmem:s24], [sflag:$0x7], $0x4000, $0x38;
	[tilespmem:$0x12800] =	vst v63  }
0xa5: {  	_ =	swait.ge [sflag:s31], $0x4000  }
0xa6: {  	[sflag:s31] =	ssyncset.done $0x0  }
0xa7: {  	[sflag:s31] =	ssyncadd.s32 $0xFFFFC000  }
0xa8: {  	_ =	swait.ge [sflag:s3], $0x4000  }
0xa9: {  	[sflag:s3] =	ssyncset.done $0x0  }
0xaa: {  	[sflag:s3] =	ssyncadd.s32 $0xFFFFC000  }
0xab: {  	[hbm4b:s16+s6] =	stream.linear.scatter [tilespmem:s28], [sflag:$0x6], $0x4000, $0x38;
	[tilespmem:$0x12800] =	vst v63  }
0xac: {  	_ = 	snop  }
0xad: {  	[hbm4b:s17+s6] =	stream.linear.scatter [tilespmem:s30], [sflag:$0x8], $0x4000, $0x38;
	[tilespmem:$0x12800] =	vst v63  }
0xae: {  	_ =	swait.ge [sflag:s2], $0x4000  }
0xaf: {  	[sflag:s2] =	ssyncset.done $0x0  }
0xb0: {  	[sflag:s2] =	ssyncadd.s32 $0xFFFFC000  }
0xb1: {  	_ =	swait.ge [sflag:s29], $0x4000  }
0xb2: {  	[sflag:s29] =	ssyncset.done $0x0  }
0xb3: {  	[sflag:s29] =	ssyncadd.s32 $0xFFFFC000  }
0xb4: {  	_ =	swait.ge [sflag:s7], $0x4000  }
0xb5: {  	[sflag:s7] =	ssyncset.done $0x0  }
0xb6: {  	[sflag:s7] =	ssyncadd.s32 $0xFFFFC000  }
0xb7: {  	_ =	swait.ge [sflag:s8], $0x4000  }
0xb8: {  	s9 =	sadd.s32 $0x1, s9;
	s14 =	rddreg [dreg:$0x9]  }
0xb9: {  	p0 =	sne.s32 s9, s14  }
.Ltmp1:
0xba: {  	_ = 	snop;
	(pc) =	sbr.rel @p0 .LBB2_1-.Ltmp1, $3  }
0xbb: {  	_ =	sdelay $0x1  }
0xbc: {  	[sflag:s8] =	ssyncset.done $0x0  }
0xbd: {  	[sflag:s8] =	ssyncadd.s32 $0xFFFFC000  }
0xbe: {  	_ =	sfence.sel $0x180000  }
0xbf: {  	[bflag:$0x0] =	sbarrier.arrive $0xFFFF  }
0xc0: {  	_ =	strace $0x90000047  }
0xc1: {  	s0 =	stileid.u32;
	[bflag:$0x2] =	sbarrier.arrive $0xFFFF  }
0xc2: {  	p0 =	sne.s32 s0, $0x0;
	s0 =	rddreg [dreg:$0x6]  }
0xc3: {  	s0 =	sadd.s32 @!p0 $0x100000, s0  }
0xc4: {  	[sflag:s0] =	ssyncadd.tile.s32 @!p0 $0x1;
	_ =	shalt  }
.Lfunc_end2:
_tile_overlayer_lowered:
.L_overlay_start_2:
0xc5: {  	(tag) =	ssettag $0x2  }
0xc6: {  	s0 =	rddreg [dreg:$0x0];
	s2 =	stileid.u32  }
0xc7: {  	s1 =	rddreg [dreg:$0x1];
	p0 =	sne.s32 s2, $0x0  }
0xc8: {  	s3 =	rddreg [dreg:$0x2];
	[bflag:$0x3] =	sbarrier.arrive $0xFFFF;
	s2 =	simm.s32 @!p0 $0x1C09  }
0xc9: {  	[timem:s3], [sflag:s2] =	dma.local @!p0 [hbm:s0], s1  }
0xca: {  	s0 =	simm.s32 @!p0 $0x9  }
0xcb: {  	_ =	swait.ge @!p0 [sflag:s0], s1  }
0xcc: {  	s1 =	ssub.s32 @!p0 $0x0, s1;
	[sflag:s0] =	ssyncset.done @!p0 $0x0  }
0xcd: {  	[sflag:s0] =	ssyncadd.s32 @!p0 s1  }
0xce: {  	[bflag:$0x3] =	sbarrier.arrive $0xFFFF  }
0xcf: {  	_ =	shalt  }

</sc_bundles>
